<compile_context>
chip_gen: v7x
topology: tpu7x:2x2x1
jax: 0.10.2.dev20260603
libtpu: 0.0.44.dev20260713+nightly
codegen_flags: <defaults>
</compile_context>

<pallas_src>
import functools

import jax
import jax.numpy as jnp
from jax import lax
from jax.experimental import pallas as pl
from jax.experimental.pallas import tpu as pltpu
from jax.experimental.pallas import tpu_sc as plsc

_N = 10000
_IN = 256
_H = 8
_D = 32
_E = 320000
_HD = _H * _D
_HALF = _HD // 2
_HH = _H // 2
_LP = 16

_BN = 400
_B = 80
_NS = 16
_NC = 2
_CHUNK = _E // _NS
_NBLK = _CHUNK // _B
_RPS = 632
_RPS_LAST = _N - 15 * _RPS


def _proj_body(x_ref, w_ref, al_ref, ar_ref, feat_ref, el_ref, er_ref):
    x = x_ref[...]
    w = w_ref[...]
    feat = jnp.dot(x, w, preferred_element_type=jnp.float32)
    feat_ref[...] = feat
    f3 = feat.reshape(_BN, _H, _D)
    el = jnp.sum(f3 * al_ref[...][None, :, :], axis=-1)
    er = jnp.sum(f3 * ar_ref[...][None, :, :], axis=-1)
    pad = jnp.zeros((_BN, _LP - _H), jnp.float32)
    el_ref[...] = jnp.concatenate([el, pad], axis=1)
    er_ref[...] = jnp.concatenate([er, pad], axis=1)


def _project(x, w, al, ar):
    grid = _N // _BN
    return pl.pallas_call(
        _proj_body,
        grid=(grid,),
        in_specs=[
            pl.BlockSpec((_BN, _IN), lambda i: (i, 0)),
            pl.BlockSpec((_IN, _HD), lambda i: (0, 0)),
            pl.BlockSpec((_H, _D), lambda i: (0, 0)),
            pl.BlockSpec((_H, _D), lambda i: (0, 0)),
        ],
        out_specs=[
            pl.BlockSpec((_BN, _HD), lambda i: (i, 0)),
            pl.BlockSpec((_BN, _LP), lambda i: (i, 0)),
            pl.BlockSpec((_BN, _LP), lambda i: (i, 0)),
        ],
        out_shape=[
            jax.ShapeDtypeStruct((_N, _HD), jnp.float32),
            jax.ShapeDtypeStruct((_N, _LP), jnp.float32),
            jax.ShapeDtypeStruct((_N, _LP), jnp.float32),
        ],
    )(x, w, al, ar)


def _sc_body(src_hbm, dst_hbm, feat2_hbm, el_hbm, er_hbm, zrow_hbm, zden_hbm,
             acc_hbm, den_hbm,
             idx_sa, idx_sb, idx_da, idx_db, sidxa, sidxb,
             idx2a, idx2b, elga, elgb, erga, ergb, eeva, eevb, eefa, eefb,
             rowsa, rowsb,
             sem_is_a, sem_is_b, sem_id_a, sem_id_b,
             sem_el_a, sem_el_b, sem_er_a, sem_er_b, sem_f_a, sem_f_b,
             acc_sh, den_sh):
    c = lax.axis_index("c")
    s = lax.axis_index("s")
    idx_s_ = (idx_sa, idx_sb)
    idx_d_ = (idx_da, idx_db)
    sidx_ = (sidxa, sidxb)
    sem_is = (sem_is_a, sem_is_b)
    sem_id = (sem_id_a, sem_id_b)
    idx2_ = (idx2a, idx2b)
    elg_ = (elga, elgb)
    erg_ = (erga, ergb)
    eev_ = (eeva, eevb)
    eef_ = (eefa, eefb)
    rows_ = (rowsa, rowsb)
    sem_el = (sem_el_a, sem_el_b)
    sem_er = (sem_er_a, sem_er_b)
    sem_f = (sem_f_a, sem_f_b)

    @pl.when(s < 15)
    def _zero_a():
        pltpu.sync_copy(zrow_hbm, acc_sh.at[pl.ds(s * _RPS, _RPS)])

        @pl.when(c == 0)
        def _zden_a():
            pltpu.sync_copy(zden_hbm, den_sh.at[pl.ds(s * _RPS, _RPS)])

    @pl.when(s == 15)
    def _zero_b():
        pltpu.sync_copy(zrow_hbm.at[pl.ds(0, _RPS_LAST)],
                        acc_sh.at[pl.ds(15 * _RPS, _RPS_LAST)])

        @pl.when(c == 0)
        def _zden_b():
            pltpu.sync_copy(zden_hbm.at[pl.ds(0, _RPS_LAST)],
                            den_sh.at[pl.ds(15 * _RPS, _RPS_LAST)])

    plsc.subcore_barrier()

    hbase = c * _HH

    def idx_loads(b, slot):
        return (
            pltpu.make_async_copy(src_hbm.at[s, b], idx_s_[slot],
                                  sem_is[slot]),
            pltpu.make_async_copy(dst_hbm.at[s, b], idx_d_[slot],
                                  sem_id[slot]),
        )

    def gathers(b, slot):
        return (
            pltpu.make_async_copy(el_hbm.at[idx_s_[slot]], elg_[slot],
                                  sem_el[slot]),
            pltpu.make_async_copy(er_hbm.at[idx_d_[slot]], erg_[slot],
                                  sem_er[slot]),
            pltpu.make_async_copy(feat2_hbm.at[idx2_[slot]], rows_[slot],
                                  sem_f[slot]),
        )

    def start_idx(b, slot):
        for cp in idx_loads(b, slot):
            cp.start()

    def issue(b, slot):
        for cp in idx_loads(b, slot):
            cp.wait()

        @plsc.parallel_loop(0, _B // 16, unroll=5)
        def _mk(k):
            v = idx_s_[slot][pl.ds(k * 16, 16)]
            idx2_[slot][pl.ds(k * 16, 16)] = v * 2 + c
        for cp in gathers(b, slot):
            cp.start()

    def process(b, slot):
        cp_el, cp_er, cp_f = gathers(b, slot)
        cp_el.wait()
        cp_er.wait()

        elg = elg_[slot]
        erg = erg_[slot]
        eev = eev_[slot]
        eef = eef_[slot]
        rows = rows_[slot]
        sidx = sidx_[slot]
        idx_d = idx_d_[slot]

        @plsc.parallel_loop(0, _B, unroll=8)
        def _ecomp(k):
            a = elg[k, :] + erg[k, :]
            a = jnp.maximum(a, a * 0.2)
            a = jnp.exp(a)
            eev[k, :] = a
            eef[pl.ds(k * 16, 16)] = a

        @plsc.parallel_loop(0, _B // 16, unroll=5)
        def _icopy(k):
            sidx[pl.ds(k * 16, 16)] = idx_d[pl.ds(k * 16, 16)]

        @pl.when(c == 0)
        def _den_add():
            pltpu.sync_copy(eev, den_sh.at[sidx], add=True)

        cp_f.wait()

        @pl.when(b + 2 < _NBLK)
        def _prefetch_idx():
            start_idx(b + 2, slot)

        @plsc.parallel_loop(0, _B, unroll=4)
        def _scale(e):
            eb = e * _LP + hbase
            for h in range(_HH):
                bidx = jnp.zeros((16,), jnp.int32) + (eb + h)
                bv = plsc.load_gather(eef, [bidx])
                for j2 in range(2):
                    j = (h * 2 + j2) * 16
                    rows[e, pl.ds(j, 16)] = rows[e, pl.ds(j, 16)] * bv

        pltpu.sync_copy(rows, acc_sh.at[sidx], add=True)

    start_idx(0, 0)
    issue(0, 0)
    start_idx(1, 1)

    def pair(g2, carry):
        b0 = 2 * g2
        b1 = b0 + 1
        issue(b1, 1)
        process(b0, 0)

        @pl.when(b0 + 2 < _NBLK)
        def _gather0():
            issue(b0 + 2, 0)

        process(b1, 1)
        return carry

    lax.fori_loop(0, _NBLK // 2, pair, 0)
    plsc.subcore_barrier()

    @pl.when(s < 15)
    def _out_a():
        pltpu.sync_copy(acc_sh.at[pl.ds(s * _RPS, _RPS)],
                        acc_hbm.at[pl.ds(c * _N + s * _RPS, _RPS)])

        @pl.when(c == 0)
        def _dout_a():
            pltpu.sync_copy(den_sh.at[pl.ds(s * _RPS, _RPS)],
                            den_hbm.at[pl.ds(s * _RPS, _RPS)])

    @pl.when(s == 15)
    def _out_b():
        pltpu.sync_copy(acc_sh.at[pl.ds(15 * _RPS, _RPS_LAST)],
                        acc_hbm.at[pl.ds(c * _N + 15 * _RPS, _RPS_LAST)])

        @pl.when(c == 0)
        def _dout_b():
            pltpu.sync_copy(den_sh.at[pl.ds(15 * _RPS, _RPS_LAST)],
                            den_hbm.at[pl.ds(15 * _RPS, _RPS_LAST)])


def _edge_phase(src, dst, feat2, el, er):
    zrow = jnp.zeros((_RPS, _HALF), jnp.float32)
    zden = jnp.zeros((_RPS, _LP), jnp.float32)
    mesh = plsc.VectorSubcoreMesh(core_axis_name="c", subcore_axis_name="s")
    call = pl.kernel(
        _sc_body,
        out_type=[
            jax.ShapeDtypeStruct((_NC * _N, _HALF), jnp.float32),
            jax.ShapeDtypeStruct((_N, _LP), jnp.float32),
        ],
        mesh=mesh,
        compiler_params=pltpu.CompilerParams(
            needs_layout_passes=False, use_tc_tiling_on_sc=False),
        scratch_types=[
            pltpu.VMEM((_B,), jnp.int32),
            pltpu.VMEM((_B,), jnp.int32),
            pltpu.VMEM((_B,), jnp.int32),
            pltpu.VMEM((_B,), jnp.int32),
            pltpu.VMEM((_B,), jnp.int32),
            pltpu.VMEM((_B,), jnp.int32),
            pltpu.VMEM((_B,), jnp.int32),
            pltpu.VMEM((_B,), jnp.int32),
            pltpu.VMEM((_B, _LP), jnp.float32),
            pltpu.VMEM((_B, _LP), jnp.float32),
            pltpu.VMEM((_B, _LP), jnp.float32),
            pltpu.VMEM((_B, _LP), jnp.float32),
            pltpu.VMEM((_B, _LP), jnp.float32),
            pltpu.VMEM((_B, _LP), jnp.float32),
            pltpu.VMEM((_B * _LP,), jnp.float32),
            pltpu.VMEM((_B * _LP,), jnp.float32),
            pltpu.VMEM((_B, _HALF), jnp.float32),
            pltpu.VMEM((_B, _HALF), jnp.float32),
            pltpu.SemaphoreType.DMA,
            pltpu.SemaphoreType.DMA,
            pltpu.SemaphoreType.DMA,
            pltpu.SemaphoreType.DMA,
            pltpu.SemaphoreType.DMA,
            pltpu.SemaphoreType.DMA,
            pltpu.SemaphoreType.DMA,
            pltpu.SemaphoreType.DMA,
            pltpu.SemaphoreType.DMA,
            pltpu.SemaphoreType.DMA,
            pltpu.VMEM_SHARED((_N, _HALF), jnp.float32),
            pltpu.VMEM_SHARED((_N, _LP), jnp.float32),
        ],
    )
    return call(src, dst, feat2, el, er, zrow, zden)


def _epi_body(lo_ref, hi_ref, den_ref, bias_ref, out_ref):
    cat = jnp.concatenate([lo_ref[...], hi_ref[...]], axis=1)
    den = jnp.maximum(den_ref[...][:, :_H], 1e-9)
    den_exp = jnp.broadcast_to(den[:, :, None], (_BN, _H, _D))
    out_ref[...] = cat / den_exp.reshape(_BN, _HD) + bias_ref[...][None, :]


def _epilogue(acc, den, bias):
    grid = _N // _BN
    nb = _N // _BN
    return pl.pallas_call(
        _epi_body,
        grid=(grid,),
        in_specs=[
            pl.BlockSpec((_BN, _HALF), lambda i: (i, 0)),
            pl.BlockSpec((_BN, _HALF), lambda i, _nb=nb: (i + _nb, 0)),
            pl.BlockSpec((_BN, _LP), lambda i: (i, 0)),
            pl.BlockSpec((_HD,), lambda i: (0,)),
        ],
        out_specs=pl.BlockSpec((_BN, _HD), lambda i: (i, 0)),
        out_shape=jax.ShapeDtypeStruct((_N, _HD), jnp.float32),
    )(acc, acc, den, bias)


def kernel(connectivity, nodes_data, W, attn_l, attn_r, bias):
    src = connectivity[0, 0].reshape(_NS, _NBLK, _B)
    dst = connectivity[1, 0].reshape(_NS, _NBLK, _B)
    feat, el, er = _project(nodes_data, W, attn_l, attn_r)
    feat2 = feat.reshape(_NC * _N, _HALF)
    acc, den = _edge_phase(src, dst, feat2, el, er)
    return _epilogue(acc, den, bias)

# --- scband reference (transcript-rebuilt; emitter-appended) ---
"""Pipeline reference for scband-graph-attention-convolution-34522947125273 (READ-ONLY COPY).

The authoritative reference and input builder live on the scoring server;
editing this copy changes nothing except your own understanding.
"""

import jax, jax.numpy as jnp
import numpy as np

N = 10000
IN = 256
H = 8
D = 32
E = 320000


def setup_inputs(seed: int = 0) -> dict:
    key = jax.random.key(seed)
    k1, k2, k3, k4, k5 = jax.random.split(key, 5)
    connectivity = jax.random.randint(k1, (2, 1, E), 0, N, dtype=jnp.int32)
    nodes_data = jax.random.normal(k2, (N, IN), dtype=jnp.float32)
    W = jax.random.normal(k3, (IN, H * D), dtype=jnp.float32) * (1.0 / np.sqrt(IN))
    attn_l = jax.random.normal(k4, (H, D), dtype=jnp.float32) * 0.1
    attn_r = jax.random.normal(k5, (H, D), dtype=jnp.float32) * 0.1
    bias = jnp.zeros((H * D,), dtype=jnp.float32)
    return {"connectivity": connectivity, "nodes_data": nodes_data, "W": W,
            "attn_l": attn_l, "attn_r": attn_r, "bias": bias}


def reference(connectivity, nodes_data, W, attn_l, attn_r, bias):
    # DGL GATConv (single homogeneous graph), allow_zero_in_degree=True
    src = connectivity[0, 0]
    dst = connectivity[1, 0]
    feat = (nodes_data @ W).reshape(N, H, D)            # fc projection -> [N,H,D]
    el = jnp.sum(feat * attn_l[None, :, :], axis=-1)    # [N,H]
    er = jnp.sum(feat * attn_r[None, :, :], axis=-1)    # [N,H]
    e = jax.nn.leaky_relu(el[src] + er[dst], 0.2)       # [E,H]
    # edge softmax over incoming edges of each dst node
    emax = jax.ops.segment_max(e, dst, num_segments=N)  # [N,H]
    emax = jnp.where(jnp.isfinite(emax), emax, 0.0)     # zero in-degree guard
    ee = jnp.exp(e - emax[dst])
    denom = jax.ops.segment_sum(ee, dst, num_segments=N)  # [N,H]
    alpha = ee / jnp.maximum(denom, 1e-9)[dst]            # [E,H]
    msg = feat[src] * alpha[:, :, None]                   # [E,H,D]
    rst = jax.ops.segment_sum(msg, dst, num_segments=N)   # [N,H,D]
    out = rst.reshape(N, H * D) + bias                    # flatten heads
    return out

if __name__ == "__main__":
    import jax
    _d = setup_inputs()
    print(jax.jit(kernel)(*tuple(_d.values())))

</pallas_src>

<mosaic_0001>
#map = affine_map<(d0, d1) -> (0, 0, 0)>
#map1 = affine_map<(d0, d1) -> (0, 0)>
module attributes {stable_mosaic.version = 14 : i64} {
  func.func @_sc_body(%arg0: i32, %arg1: i32, %arg2: memref<16x250x80xi32, #tpu.memory_space<hbm>>, %arg3: memref<16x250x80xi32, #tpu.memory_space<hbm>>, %arg4: memref<20000x128xf32, #tpu.memory_space<hbm>>, %arg5: memref<10000x16xf32, #tpu.memory_space<hbm>>, %arg6: memref<10000x16xf32, #tpu.memory_space<hbm>>, %arg7: memref<632x128xf32, #tpu.memory_space<hbm>>, %arg8: memref<632x16xf32, #tpu.memory_space<hbm>>, %arg9: memref<20000x128xf32, #tpu.memory_space<hbm>>, %arg10: memref<10000x16xf32, #tpu.memory_space<hbm>>, %arg11: memref<80xi32, #tpu.memory_space<vmem>>, %arg12: memref<80xi32, #tpu.memory_space<vmem>>, %arg13: memref<80xi32, #tpu.memory_space<vmem>>, %arg14: memref<80xi32, #tpu.memory_space<vmem>>, %arg15: memref<80xi32, #tpu.memory_space<vmem>>, %arg16: memref<80xi32, #tpu.memory_space<vmem>>, %arg17: memref<80xi32, #tpu.memory_space<vmem>>, %arg18: memref<80xi32, #tpu.memory_space<vmem>>, %arg19: memref<80x16xf32, #tpu.memory_space<vmem>>, %arg20: memref<80x16xf32, #tpu.memory_space<vmem>>, %arg21: memref<80x16xf32, #tpu.memory_space<vmem>>, %arg22: memref<80x16xf32, #tpu.memory_space<vmem>>, %arg23: memref<80x16xf32, #tpu.memory_space<vmem>>, %arg24: memref<80x16xf32, #tpu.memory_space<vmem>>, %arg25: memref<1280xf32, #tpu.memory_space<vmem>>, %arg26: memref<1280xf32, #tpu.memory_space<vmem>>, %arg27: memref<80x128xf32, #tpu.memory_space<vmem>>, %arg28: memref<80x128xf32, #tpu.memory_space<vmem>>, %arg29: memref<!tpu.dma_semaphore, #tpu.memory_space<semaphore_mem>>, %arg30: memref<!tpu.dma_semaphore, #tpu.memory_space<semaphore_mem>>, %arg31: memref<!tpu.dma_semaphore, #tpu.memory_space<semaphore_mem>>, %arg32: memref<!tpu.dma_semaphore, #tpu.memory_space<semaphore_mem>>, %arg33: memref<!tpu.dma_semaphore, #tpu.memory_space<semaphore_mem>>, %arg34: memref<!tpu.dma_semaphore, #tpu.memory_space<semaphore_mem>>, %arg35: memref<!tpu.dma_semaphore, #tpu.memory_space<semaphore_mem>>, %arg36: memref<!tpu.dma_semaphore, #tpu.memory_space<semaphore_mem>>, %arg37: memref<!tpu.dma_semaphore, #tpu.memory_space<semaphore_mem>>, %arg38: memref<!tpu.dma_semaphore, #tpu.memory_space<semaphore_mem>>, %arg39: memref<10000x128xf32, #tpu.memory_space<vmem_shared>>, %arg40: memref<10000x16xf32, #tpu.memory_space<vmem_shared>>) attributes {dimension_semantics = [#tpu.dimension_semantics<core_parallel>, #tpu.dimension_semantics<subcore_parallel>], iteration_bounds = array<i64: 2, 16>, scalar_prefetch = 0 : i64, scratch_operands = 30 : i64, tpu.core_type = #tpu.core_type<sc_vector_subcore>, window_params = [{transform_indices = #map}, {transform_indices = #map}, {transform_indices = #map1}, {transform_indices = #map1}, {transform_indices = #map1}, {transform_indices = #map1}, {transform_indices = #map1}, {transform_indices = #map1}, {transform_indices = #map1}]} {
    %lt3A = arith.constant 15 : i32
    %lt3A_0 = arith.cmpi slt, %arg1, %lt3A : i32
    %convert_element_type3A = arith.extui %lt3A_0 : i1 to i32
    %cond3A = arith.constant 0 : i32
    %cond3A_1 = arith.cmpi ne, %convert_element_type3A, %cond3A : i32
    scf.if %cond3A_1 {
      %mul3A_74 = arith.constant 632 : i32
      %mul3A_75 = arith.muli %arg1, %mul3A_74 : i32
      "tpu.region"() ({
        %run_scoped3A = tpu.sem_alloc : memref<!tpu.dma_semaphore, #tpu.memory_space<semaphore_mem>>
        %dma_start3A_81 = arith.constant 0 : i32
        %dma_start3A_82 = tpu.memref_slice %arg39[%mul3A_75, %dma_start3A_81] : memref<10000x128xf32, #tpu.memory_space<vmem_shared>> -> memref<632x128xf32, #tpu.memory_space<vmem_shared>>
        tpu.enqueue_dma source(%arg7 : memref<632x128xf32, #tpu.memory_space<hbm>>) target(%dma_start3A_82 : memref<632x128xf32, #tpu.memory_space<vmem_shared>>) target_semaphore(%run_scoped3A : memref<!tpu.dma_semaphore, #tpu.memory_space<semaphore_mem>>)
        %dma_wait3A_83 = arith.constant 0 : i32
        %dma_wait3A_84 = tpu.memref_slice %arg39[%mul3A_75, %dma_wait3A_83] : memref<10000x128xf32, #tpu.memory_space<vmem_shared>> -> memref<632x128xf32, #tpu.memory_space<vmem_shared>>
        tpu.wait_dma2 semaphore(%run_scoped3A : memref<!tpu.dma_semaphore, #tpu.memory_space<semaphore_mem>>) src(%arg7 : memref<632x128xf32, #tpu.memory_space<hbm>>) dst(%dma_wait3A_84 : memref<632x128xf32, #tpu.memory_space<vmem_shared>>)
        tpu.yield
      }) : () -> ()
      %eq3A_76 = arith.constant 0 : i32
      %eq3A_77 = arith.cmpi eq, %arg0, %eq3A_76 : i32
      %convert_element_type3A_78 = arith.extui %eq3A_77 : i1 to i32
      %cond3A_79 = arith.constant 0 : i32
      %cond3A_80 = arith.cmpi ne, %convert_element_type3A_78, %cond3A_79 : i32
      scf.if %cond3A_80 {
        %mul3A_81 = arith.constant 632 : i32
        %mul3A_82 = arith.muli %arg1, %mul3A_81 : i32
        "tpu.region"() ({
          %run_scoped3A = tpu.sem_alloc : memref<!tpu.dma_semaphore, #tpu.memory_space<semaphore_mem>>
          %dma_start3A_83 = arith.constant 0 : i32
          %dma_start3A_84 = tpu.memref_slice %arg40[%mul3A_82, %dma_start3A_83] : memref<10000x16xf32, #tpu.memory_space<vmem_shared>> -> memref<632x16xf32, #tpu.memory_space<vmem_shared>>
          tpu.enqueue_dma source(%arg8 : memref<632x16xf32, #tpu.memory_space<hbm>>) target(%dma_start3A_84 : memref<632x16xf32, #tpu.memory_space<vmem_shared>>) target_semaphore(%run_scoped3A : memref<!tpu.dma_semaphore, #tpu.memory_space<semaphore_mem>>)
          %dma_wait3A_85 = arith.constant 0 : i32
          %dma_wait3A_86 = tpu.memref_slice %arg40[%mul3A_82, %dma_wait3A_85] : memref<10000x16xf32, #tpu.memory_space<vmem_shared>> -> memref<632x16xf32, #tpu.memory_space<vmem_shared>>
          tpu.wait_dma2 semaphore(%run_scoped3A : memref<!tpu.dma_semaphore, #tpu.memory_space<semaphore_mem>>) src(%arg8 : memref<632x16xf32, #tpu.memory_space<hbm>>) dst(%dma_wait3A_86 : memref<632x16xf32, #tpu.memory_space<vmem_shared>>)
          tpu.yield
        }) : () -> ()
      } else {
      }
    } else {
    }
    %eq3A = arith.constant 15 : i32
    %eq3A_2 = arith.cmpi eq, %arg1, %eq3A : i32
    %convert_element_type3A_3 = arith.extui %eq3A_2 : i1 to i32
    %cond3A_4 = arith.constant 0 : i32
    %cond3A_5 = arith.cmpi ne, %convert_element_type3A_3, %cond3A_4 : i32
    scf.if %cond3A_5 {
      "tpu.region"() ({
        %run_scoped3A = tpu.sem_alloc : memref<!tpu.dma_semaphore, #tpu.memory_space<semaphore_mem>>
        %dma_start3A_79 = arith.constant 9480 : i32
        %dma_start3A_80 = arith.constant 0 : i32
        %dma_start3A_81 = tpu.memref_slice %arg39[%dma_start3A_79, %dma_start3A_80] : memref<10000x128xf32, #tpu.memory_space<vmem_shared>> -> memref<520x128xf32, #tpu.memory_space<vmem_shared>>
        %dma_start3A_82 = arith.constant 0 : i32
        %dma_start3A_83 = arith.constant 0 : i32
        %dma_start3A_84 = tpu.memref_slice %arg7[%dma_start3A_82, %dma_start3A_83] : memref<632x128xf32, #tpu.memory_space<hbm>> -> memref<520x128xf32, #tpu.memory_space<hbm>>
        tpu.enqueue_dma source(%dma_start3A_84 : memref<520x128xf32, #tpu.memory_space<hbm>>) target(%dma_start3A_81 : memref<520x128xf32, #tpu.memory_space<vmem_shared>>) target_semaphore(%run_scoped3A : memref<!tpu.dma_semaphore, #tpu.memory_space<semaphore_mem>>)
        %dma_wait3A_85 = arith.constant 9480 : i32
        %dma_wait3A_86 = arith.constant 0 : i32
        %dma_wait3A_87 = tpu.memref_slice %arg39[%dma_wait3A_85, %dma_wait3A_86] : memref<10000x128xf32, #tpu.memory_space<vmem_shared>> -> memref<520x128xf32, #tpu.memory_space<vmem_shared>>
        %dma_wait3A_88 = arith.constant 0 : i32
        %dma_wait3A_89 = arith.constant 0 : i32
        %dma_wait3A_90 = tpu.memref_slice %arg7[%dma_wait3A_88, %dma_wait3A_89] : memref<632x128xf32, #tpu.memory_space<hbm>> -> memref<520x128xf32, #tpu.memory_space<hbm>>
        tpu.wait_dma2 semaphore(%run_scoped3A : memref<!tpu.dma_semaphore, #tpu.memory_space<semaphore_mem>>) src(%dma_wait3A_90 : memref<520x128xf32, #tpu.memory_space<hbm>>) dst(%dma_wait3A_87 : memref<520x128xf32, #tpu.memory_space<vmem_shared>>)
        tpu.yield
      }) : () -> ()
      %eq3A_74 = arith.constant 0 : i32
      %eq3A_75 = arith.cmpi eq, %arg0, %eq3A_74 : i32
      %convert_element_type3A_76 = arith.extui %eq3A_75 : i1 to i32
      %cond3A_77 = arith.constant 0 : i32
      %cond3A_78 = arith.cmpi ne, %convert_element_type3A_76, %cond3A_77 : i32
      scf.if %cond3A_78 {
        "tpu.region"() ({
          %run_scoped3A = tpu.sem_alloc : memref<!tpu.dma_semaphore, #tpu.memory_space<semaphore_mem>>
          %dma_start3A_79 = arith.constant 9480 : i32
          %dma_start3A_80 = arith.constant 0 : i32
          %dma_start3A_81 = tpu.memref_slice %arg40[%dma_start3A_79, %dma_start3A_80] : memref<10000x16xf32, #tpu.memory_space<vmem_shared>> -> memref<520x16xf32, #tpu.memory_space<vmem_shared>>
          %dma_start3A_82 = arith.constant 0 : i32
          %dma_start3A_83 = arith.constant 0 : i32
          %dma_start3A_84 = tpu.memref_slice %arg8[%dma_start3A_82, %dma_start3A_83] : memref<632x16xf32, #tpu.memory_space<hbm>> -> memref<520x16xf32, #tpu.memory_space<hbm>>
          tpu.enqueue_dma source(%dma_start3A_84 : memref<520x16xf32, #tpu.memory_space<hbm>>) target(%dma_start3A_81 : memref<520x16xf32, #tpu.memory_space<vmem_shared>>) target_semaphore(%run_scoped3A : memref<!tpu.dma_semaphore, #tpu.memory_space<semaphore_mem>>)
          %dma_wait3A_85 = arith.constant 9480 : i32
          %dma_wait3A_86 = arith.constant 0 : i32
          %dma_wait3A_87 = tpu.memref_slice %arg40[%dma_wait3A_85, %dma_wait3A_86] : memref<10000x16xf32, #tpu.memory_space<vmem_shared>> -> memref<520x16xf32, #tpu.memory_space<vmem_shared>>
          %dma_wait3A_88 = arith.constant 0 : i32
          %dma_wait3A_89 = arith.constant 0 : i32
          %dma_wait3A_90 = tpu.memref_slice %arg8[%dma_wait3A_88, %dma_wait3A_89] : memref<632x16xf32, #tpu.memory_space<hbm>> -> memref<520x16xf32, #tpu.memory_space<hbm>>
          tpu.wait_dma2 semaphore(%run_scoped3A : memref<!tpu.dma_semaphore, #tpu.memory_space<semaphore_mem>>) src(%dma_wait3A_90 : memref<520x16xf32, #tpu.memory_space<hbm>>) dst(%dma_wait3A_87 : memref<520x16xf32, #tpu.memory_space<vmem_shared>>)
          tpu.yield
        }) : () -> ()
      } else {
      }
    } else {
    }
    %barrier3A = arith.constant 0 : index
    tpu.barrier barrier_id(%barrier3A)
    %mul3A = arith.constant 4 : i32
    %mul3A_6 = arith.muli %arg0, %mul3A : i32
    %dma_start3A = arith.constant 0 : i32
    %dma_start3A_7 = arith.constant 0 : i32
    %dma_start3A_8 = tpu.memref_slice %arg2[%arg1, %dma_start3A, %dma_start3A_7] : memref<16x250x80xi32, #tpu.memory_space<hbm>> -> memref<1x1x80xi32, #tpu.memory_space<hbm>>
    %dma_start3A_9 = tpu.memref_squeeze %dma_start3A_8 : memref<1x1x80xi32, #tpu.memory_space<hbm>> -> memref<80xi32, #tpu.memory_space<hbm>>
    %dma_start3A_10 = arith.constant 0 : i32
    %dma_start3A_11 = tpu.memref_slice %arg2[%arg1, %dma_start3A, %dma_start3A_10] : memref<16x250x80xi32, #tpu.memory_space<hbm>> -> memref<1x1x80xi32, #tpu.memory_space<hbm>>
    %dma_start3A_12 = tpu.memref_squeeze %dma_start3A_11 : memref<1x1x80xi32, #tpu.memory_space<hbm>> -> memref<80xi32, #tpu.memory_space<hbm>>
    tpu.enqueue_dma source(%dma_start3A_12 : memref<80xi32, #tpu.memory_space<hbm>>) target(%arg11 : memref<80xi32, #tpu.memory_space<vmem>>) target_semaphore(%arg29 : memref<!tpu.dma_semaphore, #tpu.memory_space<semaphore_mem>>)
    %dma_start3A_13 = arith.constant 0 : i32
    %dma_start3A_14 = arith.constant 0 : i32
    %dma_start3A_15 = tpu.memref_slice %arg3[%arg1, %dma_start3A_13, %dma_start3A_14] : memref<16x250x80xi32, #tpu.memory_space<hbm>> -> memref<1x1x80xi32, #tpu.memory_space<hbm>>
    %dma_start3A_16 = tpu.memref_squeeze %dma_start3A_15 : memref<1x1x80xi32, #tpu.memory_space<hbm>> -> memref<80xi32, #tpu.memory_space<hbm>>
    %dma_start3A_17 = arith.constant 0 : i32
    %dma_start3A_18 = tpu.memref_slice %arg3[%arg1, %dma_start3A_13, %dma_start3A_17] : memref<16x250x80xi32, #tpu.memory_space<hbm>> -> memref<1x1x80xi32, #tpu.memory_space<hbm>>
    %dma_start3A_19 = tpu.memref_squeeze %dma_start3A_18 : memref<1x1x80xi32, #tpu.memory_space<hbm>> -> memref<80xi32, #tpu.memory_space<hbm>>
    tpu.enqueue_dma source(%dma_start3A_19 : memref<80xi32, #tpu.memory_space<hbm>>) target(%arg13 : memref<80xi32, #tpu.memory_space<vmem>>) target_semaphore(%arg31 : memref<!tpu.dma_semaphore, #tpu.memory_space<semaphore_mem>>)
    %dma_wait3A = arith.constant 0 : i32
    %dma_wait3A_20 = arith.constant 0 : i32
    %dma_wait3A_21 = tpu.memref_slice %arg2[%arg1, %dma_wait3A, %dma_wait3A_20] : memref<16x250x80xi32, #tpu.memory_space<hbm>> -> memref<1x1x80xi32, #tpu.memory_space<hbm>>
    %dma_wait3A_22 = tpu.memref_squeeze %dma_wait3A_21 : memref<1x1x80xi32, #tpu.memory_space<hbm>> -> memref<80xi32, #tpu.memory_space<hbm>>
    %dma_wait3A_23 = arith.constant 0 : i32
    %dma_wait3A_24 = tpu.memref_slice %arg2[%arg1, %dma_wait3A, %dma_wait3A_23] : memref<16x250x80xi32, #tpu.memory_space<hbm>> -> memref<1x1x80xi32, #tpu.memory_space<hbm>>
    %dma_wait3A_25 = tpu.memref_squeeze %dma_wait3A_24 : memref<1x1x80xi32, #tpu.memory_space<hbm>> -> memref<80xi32, #tpu.memory_space<hbm>>
    tpu.wait_dma2 semaphore(%arg29 : memref<!tpu.dma_semaphore, #tpu.memory_space<semaphore_mem>>) src(%dma_wait3A_25 : memref<80xi32, #tpu.memory_space<hbm>>) dst(%arg11 : memref<80xi32, #tpu.memory_space<vmem>>)
    %dma_wait3A_26 = arith.constant 0 : i32
    %dma_wait3A_27 = arith.constant 0 : i32
    %dma_wait3A_28 = tpu.memref_slice %arg3[%arg1, %dma_wait3A_26, %dma_wait3A_27] : memref<16x250x80xi32, #tpu.memory_space<hbm>> -> memref<1x1x80xi32, #tpu.memory_space<hbm>>
    %dma_wait3A_29 = tpu.memref_squeeze %dma_wait3A_28 : memref<1x1x80xi32, #tpu.memory_space<hbm>> -> memref<80xi32, #tpu.memory_space<hbm>>
    %dma_wait3A_30 = arith.constant 0 : i32
    %dma_wait3A_31 = tpu.memref_slice %arg3[%arg1, %dma_wait3A_26, %dma_wait3A_30] : memref<16x250x80xi32, #tpu.memory_space<hbm>> -> memref<1x1x80xi32, #tpu.memory_space<hbm>>
    %dma_wait3A_32 = tpu.memref_squeeze %dma_wait3A_31 : memref<1x1x80xi32, #tpu.memory_space<hbm>> -> memref<80xi32, #tpu.memory_space<hbm>>
    tpu.wait_dma2 semaphore(%arg31 : memref<!tpu.dma_semaphore, #tpu.memory_space<semaphore_mem>>) src(%dma_wait3A_32 : memref<80xi32, #tpu.memory_space<hbm>>) dst(%arg13 : memref<80xi32, #tpu.memory_space<vmem>>)
    %parallel_loop3A = arith.constant 0 : i32
    %parallel_loop3A_33 = arith.constant 5 : i32
    %parallel_loop3A_34 = arith.constant 1 : i32
    scf.for %parallel_loop3A_74 = %parallel_loop3A to %parallel_loop3A_33 step %parallel_loop3A_34  : i32 {
      %parallel_loop3A_75 = arith.constant 16 : i32
      %parallel_loop3A_76 = arith.muli %parallel_loop3A_74, %parallel_loop3A_75 : i32
      %parallel_loop3A_77 = arith.index_cast %parallel_loop3A_76 : i32 to index
      %parallel_loop3A_78 = tpu.vector_load %arg11[%parallel_loop3A_77] {strides = array<i32>} : memref<80xi32, #tpu.memory_space<vmem>>, vector<16xi32>,
      %parallel_loop3A_79 = arith.constant 2 : i32
      %parallel_loop3A_80 = vector.broadcast %parallel_loop3A_79 : i32 to vector<16xi32>
      %parallel_loop3A_81 = arith.muli %parallel_loop3A_78, %parallel_loop3A_80 : vector<16xi32>
      %parallel_loop3A_82 = vector.broadcast %arg0 : i32 to vector<16xi32>
      %parallel_loop3A_83 = arith.addi %parallel_loop3A_81, %parallel_loop3A_82 : vector<16xi32>
      %parallel_loop3A_84 = arith.constant 16 : i32
      %parallel_loop3A_85 = arith.muli %parallel_loop3A_74, %parallel_loop3A_84 : i32
      %parallel_loop3A_86 = arith.index_cast %parallel_loop3A_85 : i32 to index
      %parallel_loop3A_87 = tpu.vector_load %arg17[%parallel_loop3A_86] {strides = array<i32>} : memref<80xi32, #tpu.memory_space<vmem>>, vector<16xi32>,
      tpu.vector_store %arg17[%parallel_loop3A_86], %parallel_loop3A_83 {strides = array<i32>} : memref<80xi32, #tpu.memory_space<vmem>>, vector<16xi32>,
    } {sc.loop_unroll_factor = 5 : i64, sc.parallel_access}
    %dma_start3A_35 = arith.constant 0 : i32
    %dma_start3A_36 = arith.constant 0 : i32
    %dma_start3A_37 = tpu.memref_slice %arg5[%dma_start3A_35, %dma_start3A_36] : memref<10000x16xf32, #tpu.memory_space<hbm>> -> memref<10000x16xf32, #tpu.memory_space<hbm>>
    tpu.enqueue_indirect_dma source(%dma_start3A_37 : memref<10000x16xf32, #tpu.memory_space<hbm>>) target(%arg19 : memref<80x16xf32, #tpu.memory_space<vmem>>) offsets(%arg11 : memref<80xi32, #tpu.memory_space<vmem>>) semaphore(%arg33 : memref<!tpu.dma_semaphore, #tpu.memory_space<semaphore_mem>>)
    %dma_start3A_38 = arith.constant 0 : i32
    %dma_start3A_39 = arith.constant 0 : i32
    %dma_start3A_40 = tpu.memref_slice %arg6[%dma_start3A_38, %dma_start3A_39] : memref<10000x16xf32, #tpu.memory_space<hbm>> -> memref<10000x16xf32, #tpu.memory_space<hbm>>
    tpu.enqueue_indirect_dma source(%dma_start3A_40 : memref<10000x16xf32, #tpu.memory_space<hbm>>) target(%arg21 : memref<80x16xf32, #tpu.memory_space<vmem>>) offsets(%arg13 : memref<80xi32, #tpu.memory_space<vmem>>) semaphore(%arg35 : memref<!tpu.dma_semaphore, #tpu.memory_space<semaphore_mem>>)
    %dma_start3A_41 = arith.constant 0 : i32
    %dma_start3A_42 = arith.constant 0 : i32
    %dma_start3A_43 = tpu.memref_slice %arg4[%dma_start3A_41, %dma_start3A_42] : memref<20000x128xf32, #tpu.memory_space<hbm>> -> memref<20000x128xf32, #tpu.memory_space<hbm>>
    tpu.enqueue_indirect_dma source(%dma_start3A_43 : memref<20000x128xf32, #tpu.memory_space<hbm>>) target(%arg27 : memref<80x128xf32, #tpu.memory_space<vmem>>) offsets(%arg17 : memref<80xi32, #tpu.memory_space<vmem>>) semaphore(%arg37 : memref<!tpu.dma_semaphore, #tpu.memory_space<semaphore_mem>>)
    %dma_start3A_44 = arith.constant 1 : i32
    %dma_start3A_45 = arith.constant 0 : i32
    %dma_start3A_46 = tpu.memref_slice %arg2[%arg1, %dma_start3A_44, %dma_start3A_45] : memref<16x250x80xi32, #tpu.memory_space<hbm>> -> memref<1x1x80xi32, #tpu.memory_space<hbm>>
    %dma_start3A_47 = tpu.memref_squeeze %dma_start3A_46 : memref<1x1x80xi32, #tpu.memory_space<hbm>> -> memref<80xi32, #tpu.memory_space<hbm>>
    %dma_start3A_48 = arith.constant 0 : i32
    %dma_start3A_49 = tpu.memref_slice %arg2[%arg1, %dma_start3A_44, %dma_start3A_48] : memref<16x250x80xi32, #tpu.memory_space<hbm>> -> memref<1x1x80xi32, #tpu.memory_space<hbm>>
    %dma_start3A_50 = tpu.memref_squeeze %dma_start3A_49 : memref<1x1x80xi32, #tpu.memory_space<hbm>> -> memref<80xi32, #tpu.memory_space<hbm>>
    tpu.enqueue_dma source(%dma_start3A_50 : memref<80xi32, #tpu.memory_space<hbm>>) target(%arg12 : memref<80xi32, #tpu.memory_space<vmem>>) target_semaphore(%arg30 : memref<!tpu.dma_semaphore, #tpu.memory_space<semaphore_mem>>)
    %dma_start3A_51 = arith.constant 1 : i32
    %dma_start3A_52 = arith.constant 0 : i32
    %dma_start3A_53 = tpu.memref_slice %arg3[%arg1, %dma_start3A_51, %dma_start3A_52] : memref<16x250x80xi32, #tpu.memory_space<hbm>> -> memref<1x1x80xi32, #tpu.memory_space<hbm>>
    %dma_start3A_54 = tpu.memref_squeeze %dma_start3A_53 : memref<1x1x80xi32, #tpu.memory_space<hbm>> -> memref<80xi32, #tpu.memory_space<hbm>>
    %dma_start3A_55 = arith.constant 0 : i32
    %dma_start3A_56 = tpu.memref_slice %arg3[%arg1, %dma_start3A_51, %dma_start3A_55] : memref<16x250x80xi32, #tpu.memory_space<hbm>> -> memref<1x1x80xi32, #tpu.memory_space<hbm>>
    %dma_start3A_57 = tpu.memref_squeeze %dma_start3A_56 : memref<1x1x80xi32, #tpu.memory_space<hbm>> -> memref<80xi32, #tpu.memory_space<hbm>>
    tpu.enqueue_dma source(%dma_start3A_57 : memref<80xi32, #tpu.memory_space<hbm>>) target(%arg14 : memref<80xi32, #tpu.memory_space<vmem>>) target_semaphore(%arg32 : memref<!tpu.dma_semaphore, #tpu.memory_space<semaphore_mem>>)
    %scan3A = arith.constant 0 : i32
    %scan3A_58 = arith.constant 0 : i32
    %scan3A_59 = arith.constant 125 : i32
    %scan3A_60 = arith.addi %scan3A_58, %scan3A_59 : i32
    %scan3A_61 = arith.constant 1 : i32
    scf.for %scan3A_74 = %scan3A_58 to %scan3A_60 step %scan3A_61  : i32 {
      %mul3A_75 = arith.constant 2 : i32
      %mul3A_76 = arith.muli %mul3A_75, %scan3A_74 : i32
      %add3A = arith.constant 1 : i32
      %add3A_77 = arith.addi %mul3A_76, %add3A : i32
      %dma_wait3A_78 = arith.constant 0 : i32
      %dma_wait3A_79 = tpu.memref_slice %arg2[%arg1, %add3A_77, %dma_wait3A_78] : memref<16x250x80xi32, #tpu.memory_space<hbm>> -> memref<1x1x80xi32, #tpu.memory_space<hbm>>
      %dma_wait3A_80 = tpu.memref_squeeze %dma_wait3A_79 : memref<1x1x80xi32, #tpu.memory_space<hbm>> -> memref<80xi32, #tpu.memory_space<hbm>>
      %dma_wait3A_81 = arith.constant 0 : i32
      %dma_wait3A_82 = tpu.memref_slice %arg2[%arg1, %add3A_77, %dma_wait3A_81] : memref<16x250x80xi32, #tpu.memory_space<hbm>> -> memref<1x1x80xi32, #tpu.memory_space<hbm>>
      %dma_wait3A_83 = tpu.memref_squeeze %dma_wait3A_82 : memref<1x1x80xi32, #tpu.memory_space<hbm>> -> memref<80xi32, #tpu.memory_space<hbm>>
      tpu.wait_dma2 semaphore(%arg30 : memref<!tpu.dma_semaphore, #tpu.memory_space<semaphore_mem>>) src(%dma_wait3A_83 : memref<80xi32, #tpu.memory_space<hbm>>) dst(%arg12 : memref<80xi32, #tpu.memory_space<vmem>>)
      %dma_wait3A_84 = arith.constant 0 : i32
      %dma_wait3A_85 = tpu.memref_slice %arg3[%arg1, %add3A_77, %dma_wait3A_84] : memref<16x250x80xi32, #tpu.memory_space<hbm>> -> memref<1x1x80xi32, #tpu.memory_space<hbm>>
      %dma_wait3A_86 = tpu.memref_squeeze %dma_wait3A_85 : memref<1x1x80xi32, #tpu.memory_space<hbm>> -> memref<80xi32, #tpu.memory_space<hbm>>
      %dma_wait3A_87 = arith.constant 0 : i32
      %dma_wait3A_88 = tpu.memref_slice %arg3[%arg1, %add3A_77, %dma_wait3A_87] : memref<16x250x80xi32, #tpu.memory_space<hbm>> -> memref<1x1x80xi32, #tpu.memory_space<hbm>>
      %dma_wait3A_89 = tpu.memref_squeeze %dma_wait3A_88 : memref<1x1x80xi32, #tpu.memory_space<hbm>> -> memref<80xi32, #tpu.memory_space<hbm>>
      tpu.wait_dma2 semaphore(%arg32 : memref<!tpu.dma_semaphore, #tpu.memory_space<semaphore_mem>>) src(%dma_wait3A_89 : memref<80xi32, #tpu.memory_space<hbm>>) dst(%arg14 : memref<80xi32, #tpu.memory_space<vmem>>)
      %parallel_loop3A_90 = arith.constant 0 : i32
      %parallel_loop3A_91 = arith.constant 5 : i32
      %parallel_loop3A_92 = arith.constant 1 : i32
      scf.for %parallel_loop3A_169 = %parallel_loop3A_90 to %parallel_loop3A_91 step %parallel_loop3A_92  : i32 {
        %parallel_loop3A_170 = arith.constant 16 : i32
        %parallel_loop3A_171 = arith.muli %parallel_loop3A_169, %parallel_loop3A_170 : i32
        %parallel_loop3A_172 = arith.index_cast %parallel_loop3A_171 : i32 to index
        %parallel_loop3A_173 = tpu.vector_load %arg12[%parallel_loop3A_172] {strides = array<i32>} : memref<80xi32, #tpu.memory_space<vmem>>, vector<16xi32>,
        %parallel_loop3A_174 = arith.constant 2 : i32
        %parallel_loop3A_175 = vector.broadcast %parallel_loop3A_174 : i32 to vector<16xi32>
        %parallel_loop3A_176 = arith.muli %parallel_loop3A_173, %parallel_loop3A_175 : vector<16xi32>
        %parallel_loop3A_177 = vector.broadcast %arg0 : i32 to vector<16xi32>
        %parallel_loop3A_178 = arith.addi %parallel_loop3A_176, %parallel_loop3A_177 : vector<16xi32>
        %parallel_loop3A_179 = arith.constant 16 : i32
        %parallel_loop3A_180 = arith.muli %parallel_loop3A_169, %parallel_loop3A_179 : i32
        %parallel_loop3A_181 = arith.index_cast %parallel_loop3A_180 : i32 to index
        %parallel_loop3A_182 = tpu.vector_load %arg18[%parallel_loop3A_181] {strides = array<i32>} : memref<80xi32, #tpu.memory_space<vmem>>, vector<16xi32>,
        tpu.vector_store %arg18[%parallel_loop3A_181], %parallel_loop3A_178 {strides = array<i32>} : memref<80xi32, #tpu.memory_space<vmem>>, vector<16xi32>,
      } {sc.loop_unroll_factor = 5 : i64, sc.parallel_access}
      %dma_start3A_93 = arith.constant 0 : i32
      %dma_start3A_94 = arith.constant 0 : i32
      %dma_start3A_95 = tpu.memref_slice %arg5[%dma_start3A_93, %dma_start3A_94] : memref<10000x16xf32, #tpu.memory_space<hbm>> -> memref<10000x16xf32, #tpu.memory_space<hbm>>
      tpu.enqueue_indirect_dma source(%dma_start3A_95 : memref<10000x16xf32, #tpu.memory_space<hbm>>) target(%arg20 : memref<80x16xf32, #tpu.memory_space<vmem>>) offsets(%arg12 : memref<80xi32, #tpu.memory_space<vmem>>) semaphore(%arg34 : memref<!tpu.dma_semaphore, #tpu.memory_space<semaphore_mem>>)
      %dma_start3A_96 = arith.constant 0 : i32
      %dma_start3A_97 = arith.constant 0 : i32
      %dma_start3A_98 = tpu.memref_slice %arg6[%dma_start3A_96, %dma_start3A_97] : memref<10000x16xf32, #tpu.memory_space<hbm>> -> memref<10000x16xf32, #tpu.memory_space<hbm>>
      tpu.enqueue_indirect_dma source(%dma_start3A_98 : memref<10000x16xf32, #tpu.memory_space<hbm>>) target(%arg22 : memref<80x16xf32, #tpu.memory_space<vmem>>) offsets(%arg14 : memref<80xi32, #tpu.memory_space<vmem>>) semaphore(%arg36 : memref<!tpu.dma_semaphore, #tpu.memory_space<semaphore_mem>>)
      %dma_start3A_99 = arith.constant 0 : i32
      %dma_start3A_100 = arith.constant 0 : i32
      %dma_start3A_101 = tpu.memref_slice %arg4[%dma_start3A_99, %dma_start3A_100] : memref<20000x128xf32, #tpu.memory_space<hbm>> -> memref<20000x128xf32, #tpu.memory_space<hbm>>
      tpu.enqueue_indirect_dma source(%dma_start3A_101 : memref<20000x128xf32, #tpu.memory_space<hbm>>) target(%arg28 : memref<80x128xf32, #tpu.memory_space<vmem>>) offsets(%arg18 : memref<80xi32, #tpu.memory_space<vmem>>) semaphore(%arg38 : memref<!tpu.dma_semaphore, #tpu.memory_space<semaphore_mem>>)
      %dma_wait3A_102 = arith.constant 0 : i32
      %dma_wait3A_103 = arith.constant 0 : i32
      %dma_wait3A_104 = tpu.memref_slice %arg5[%dma_wait3A_102, %dma_wait3A_103] : memref<10000x16xf32, #tpu.memory_space<hbm>> -> memref<10000x16xf32, #tpu.memory_space<hbm>>
      tpu.wait_indirect_dma semaphore(%arg33 : memref<!tpu.dma_semaphore, #tpu.memory_space<semaphore_mem>>) src(%dma_wait3A_104 : memref<10000x16xf32, #tpu.memory_space<hbm>>) dst(%arg19 : memref<80x16xf32, #tpu.memory_space<vmem>>)
      %dma_wait3A_105 = arith.constant 0 : i32
      %dma_wait3A_106 = arith.constant 0 : i32
      %dma_wait3A_107 = tpu.memref_slice %arg6[%dma_wait3A_105, %dma_wait3A_106] : memref<10000x16xf32, #tpu.memory_space<hbm>> -> memref<10000x16xf32, #tpu.memory_space<hbm>>
      tpu.wait_indirect_dma semaphore(%arg35 : memref<!tpu.dma_semaphore, #tpu.memory_space<semaphore_mem>>) src(%dma_wait3A_107 : memref<10000x16xf32, #tpu.memory_space<hbm>>) dst(%arg21 : memref<80x16xf32, #tpu.memory_space<vmem>>)
      %parallel_loop3A_108 = arith.constant 0 : i32
      %parallel_loop3A_109 = arith.constant 80 : i32
      %parallel_loop3A_110 = arith.constant 1 : i32
      scf.for %parallel_loop3A_169 = %parallel_loop3A_108 to %parallel_loop3A_109 step %parallel_loop3A_110  : i32 {
        %parallel_loop3A_170 = arith.index_cast %parallel_loop3A_169 : i32 to index
        %parallel_loop3A_171 = arith.constant 0 : index
        %parallel_loop3A_172 = tpu.vector_load %arg19[%parallel_loop3A_170, %parallel_loop3A_171] {strides = array<i32>} : memref<80x16xf32, #tpu.memory_space<vmem>>, vector<16xf32>,
        %parallel_loop3A_173 = arith.index_cast %parallel_loop3A_169 : i32 to index
        %parallel_loop3A_174 = arith.constant 0 : index
        %parallel_loop3A_175 = tpu.vector_load %arg21[%parallel_loop3A_173, %parallel_loop3A_174] {strides = array<i32>} : memref<80x16xf32, #tpu.memory_space<vmem>>, vector<16xf32>,
        %parallel_loop3A_176 = arith.addf %parallel_loop3A_172, %parallel_loop3A_175 : vector<16xf32>
        %parallel_loop3A_177 = arith.constant 2.000000e-01 : f32
        %parallel_loop3A_178 = vector.broadcast %parallel_loop3A_177 : f32 to vector<16xf32>
        %parallel_loop3A_179 = arith.mulf %parallel_loop3A_176, %parallel_loop3A_178 : vector<16xf32>
        %parallel_loop3A_180 = arith.maximumf %parallel_loop3A_176, %parallel_loop3A_179 : vector<16xf32>
        %parallel_loop3A_181 = math.exp %parallel_loop3A_180 : vector<16xf32>
        %parallel_loop3A_182 = arith.index_cast %parallel_loop3A_169 : i32 to index
        %parallel_loop3A_183 = arith.constant 0 : index
        %parallel_loop3A_184 = tpu.vector_load %arg23[%parallel_loop3A_182, %parallel_loop3A_183] {strides = array<i32>} : memref<80x16xf32, #tpu.memory_space<vmem>>, vector<16xf32>,
        tpu.vector_store %arg23[%parallel_loop3A_182, %parallel_loop3A_183], %parallel_loop3A_181 {strides = array<i32>} : memref<80x16xf32, #tpu.memory_space<vmem>>, vector<16xf32>,
        %parallel_loop3A_185 = arith.constant 16 : i32
        %parallel_loop3A_186 = arith.muli %parallel_loop3A_169, %parallel_loop3A_185 : i32
        %parallel_loop3A_187 = arith.index_cast %parallel_loop3A_186 : i32 to index
        %parallel_loop3A_188 = tpu.vector_load %arg25[%parallel_loop3A_187] {strides = array<i32>} : memref<1280xf32, #tpu.memory_space<vmem>>, vector<16xf32>,
        tpu.vector_store %arg25[%parallel_loop3A_187], %parallel_loop3A_181 {strides = array<i32>} : memref<1280xf32, #tpu.memory_space<vmem>>, vector<16xf32>,
      } {sc.loop_unroll_factor = 8 : i64, sc.parallel_access}
      %parallel_loop3A_111 = arith.constant 0 : i32
      %parallel_loop3A_112 = arith.constant 5 : i32
      %parallel_loop3A_113 = arith.constant 1 : i32
      scf.for %parallel_loop3A_169 = %parallel_loop3A_111 to %parallel_loop3A_112 step %parallel_loop3A_113  : i32 {
        %parallel_loop3A_170 = arith.constant 16 : i32
        %parallel_loop3A_171 = arith.muli %parallel_loop3A_169, %parallel_loop3A_170 : i32
        %parallel_loop3A_172 = arith.index_cast %parallel_loop3A_171 : i32 to index
        %parallel_loop3A_173 = tpu.vector_load %arg13[%parallel_loop3A_172] {strides = array<i32>} : memref<80xi32, #tpu.memory_space<vmem>>, vector<16xi32>,
        %parallel_loop3A_174 = arith.constant 16 : i32
        %parallel_loop3A_175 = arith.muli %parallel_loop3A_169, %parallel_loop3A_174 : i32
        %parallel_loop3A_176 = arith.index_cast %parallel_loop3A_175 : i32 to index
        %parallel_loop3A_177 = tpu.vector_load %arg15[%parallel_loop3A_176] {strides = array<i32>} : memref<80xi32, #tpu.memory_space<vmem>>, vector<16xi32>,
        tpu.vector_store %arg15[%parallel_loop3A_176], %parallel_loop3A_173 {strides = array<i32>} : memref<80xi32, #tpu.memory_space<vmem>>, vector<16xi32>,
      } {sc.loop_unroll_factor = 5 : i64, sc.parallel_access}
      %eq3A_114 = arith.constant 0 : i32
      %eq3A_115 = arith.cmpi eq, %arg0, %eq3A_114 : i32
      %convert_element_type3A_116 = arith.extui %eq3A_115 : i1 to i32
      %cond3A_117 = arith.constant 0 : i32
      %cond3A_118 = arith.cmpi ne, %convert_element_type3A_116, %cond3A_117 : i32
      scf.if %cond3A_118 {
        "tpu.region"() ({
          %run_scoped3A = tpu.sem_alloc : memref<!tpu.dma_semaphore, #tpu.memory_space<semaphore_mem>>
          %dma_start3A_169 = arith.constant 0 : i32
          %dma_start3A_170 = arith.constant 0 : i32
          %dma_start3A_171 = tpu.memref_slice %arg40[%dma_start3A_169, %dma_start3A_170] : memref<10000x16xf32, #tpu.memory_space<vmem_shared>> -> memref<10000x16xf32, #tpu.memory_space<vmem_shared>>
          tpu.enqueue_indirect_dma source(%arg23 : memref<80x16xf32, #tpu.memory_space<vmem>>) target(%dma_start3A_171 : memref<10000x16xf32, #tpu.memory_space<vmem_shared>>) offsets(%arg15 : memref<80xi32, #tpu.memory_space<vmem>>) semaphore(%run_scoped3A : memref<!tpu.dma_semaphore, #tpu.memory_space<semaphore_mem>>) {add = true}
          %dma_wait3A_172 = arith.constant 0 : i32
          %dma_wait3A_173 = arith.constant 0 : i32
          %dma_wait3A_174 = tpu.memref_slice %arg40[%dma_wait3A_172, %dma_wait3A_173] : memref<10000x16xf32, #tpu.memory_space<vmem_shared>> -> memref<10000x16xf32, #tpu.memory_space<vmem_shared>>
          tpu.wait_indirect_dma semaphore(%run_scoped3A : memref<!tpu.dma_semaphore, #tpu.memory_space<semaphore_mem>>) src(%arg23 : memref<80x16xf32, #tpu.memory_space<vmem>>) dst(%dma_wait3A_174 : memref<10000x16xf32, #tpu.memory_space<vmem_shared>>)
          tpu.yield
        }) : () -> ()
      } else {
      }
      %dma_wait3A_119 = arith.constant 0 : i32
      %dma_wait3A_120 = arith.constant 0 : i32
      %dma_wait3A_121 = tpu.memref_slice %arg4[%dma_wait3A_119, %dma_wait3A_120] : memref<20000x128xf32, #tpu.memory_space<hbm>> -> memref<20000x128xf32, #tpu.memory_space<hbm>>
      tpu.wait_indirect_dma semaphore(%arg37 : memref<!tpu.dma_semaphore, #tpu.memory_space<semaphore_mem>>) src(%dma_wait3A_121 : memref<20000x128xf32, #tpu.memory_space<hbm>>) dst(%arg27 : memref<80x128xf32, #tpu.memory_space<vmem>>)
      %add3A_122 = arith.constant 2 : i32
      %add3A_123 = arith.addi %mul3A_76, %add3A_122 : i32
      %lt3A_124 = arith.constant 250 : i32
      %lt3A_125 = arith.cmpi slt, %add3A_123, %lt3A_124 : i32
      %convert_element_type3A_126 = arith.extui %lt3A_125 : i1 to i32
      %cond3A_127 = arith.constant 0 : i32
      %cond3A_128 = arith.cmpi ne, %convert_element_type3A_126, %cond3A_127 : i32
      scf.if %cond3A_128 {
        %add3A_169 = arith.constant 2 : i32
        %add3A_170 = arith.addi %mul3A_76, %add3A_169 : i32
        %dma_start3A_171 = arith.constant 0 : i32
        %dma_start3A_172 = tpu.memref_slice %arg2[%arg1, %add3A_170, %dma_start3A_171] : memref<16x250x80xi32, #tpu.memory_space<hbm>> -> memref<1x1x80xi32, #tpu.memory_space<hbm>>
        %dma_start3A_173 = tpu.memref_squeeze %dma_start3A_172 : memref<1x1x80xi32, #tpu.memory_space<hbm>> -> memref<80xi32, #tpu.memory_space<hbm>>
        %dma_start3A_174 = arith.constant 0 : i32
        %dma_start3A_175 = tpu.memref_slice %arg2[%arg1, %add3A_170, %dma_start3A_174] : memref<16x250x80xi32, #tpu.memory_space<hbm>> -> memref<1x1x80xi32, #tpu.memory_space<hbm>>
        %dma_start3A_176 = tpu.memref_squeeze %dma_start3A_175 : memref<1x1x80xi32, #tpu.memory_space<hbm>> -> memref<80xi32, #tpu.memory_space<hbm>>
        tpu.enqueue_dma source(%dma_start3A_176 : memref<80xi32, #tpu.memory_space<hbm>>) target(%arg11 : memref<80xi32, #tpu.memory_space<vmem>>) target_semaphore(%arg29 : memref<!tpu.dma_semaphore, #tpu.memory_space<semaphore_mem>>)
        %dma_start3A_177 = arith.constant 0 : i32
        %dma_start3A_178 = tpu.memref_slice %arg3[%arg1, %add3A_170, %dma_start3A_177] : memref<16x250x80xi32, #tpu.memory_space<hbm>> -> memref<1x1x80xi32, #tpu.memory_space<hbm>>
        %dma_start3A_179 = tpu.memref_squeeze %dma_start3A_178 : memref<1x1x80xi32, #tpu.memory_space<hbm>> -> memref<80xi32, #tpu.memory_space<hbm>>
        %dma_start3A_180 = arith.constant 0 : i32
        %dma_start3A_181 = tpu.memref_slice %arg3[%arg1, %add3A_170, %dma_start3A_180] : memref<16x250x80xi32, #tpu.memory_space<hbm>> -> memref<1x1x80xi32, #tpu.memory_space<hbm>>
        %dma_start3A_182 = tpu.memref_squeeze %dma_start3A_181 : memref<1x1x80xi32, #tpu.memory_space<hbm>> -> memref<80xi32, #tpu.memory_space<hbm>>
        tpu.enqueue_dma source(%dma_start3A_182 : memref<80xi32, #tpu.memory_space<hbm>>) target(%arg13 : memref<80xi32, #tpu.memory_space<vmem>>) target_semaphore(%arg31 : memref<!tpu.dma_semaphore, #tpu.memory_space<semaphore_mem>>)
      } else {
      }
      %parallel_loop3A_129 = arith.constant 0 : i32
      %parallel_loop3A_130 = arith.constant 80 : i32
      %parallel_loop3A_131 = arith.constant 1 : i32
      scf.for %parallel_loop3A_169 = %parallel_loop3A_129 to %parallel_loop3A_130 step %parallel_loop3A_131  : i32 {
        %parallel_loop3A_170 = arith.constant 16 : i32
        %parallel_loop3A_171 = arith.muli %parallel_loop3A_169, %parallel_loop3A_170 : i32
        %parallel_loop3A_172 = arith.addi %parallel_loop3A_171, %mul3A_6 : i32
        %parallel_loop3A_173 = arith.constant 0 : i32
        %parallel_loop3A_174 = vector.broadcast %parallel_loop3A_173 : i32 to vector<16xi32>
        %parallel_loop3A_175 = arith.constant 0 : i32
        %parallel_loop3A_176 = arith.addi %parallel_loop3A_172, %parallel_loop3A_175 : i32
        %parallel_loop3A_177 = vector.broadcast %parallel_loop3A_176 : i32 to vector<16xi32>
        %parallel_loop3A_178 = arith.addi %parallel_loop3A_174, %parallel_loop3A_177 : vector<16xi32>
        %parallel_loop3A_179 = tpu.vector_load_idx %arg25[%parallel_loop3A_178] : memref<1280xf32, #tpu.memory_space<vmem>>[vector<16xi32>], vector<16xf32>,
        %parallel_loop3A_180 = arith.index_cast %parallel_loop3A_169 : i32 to index
        %parallel_loop3A_181 = arith.constant 0 : index
        %parallel_loop3A_182 = tpu.vector_load %arg27[%parallel_loop3A_180, %parallel_loop3A_181] {strides = array<i32>} : memref<80x128xf32, #tpu.memory_space<vmem>>, vector<16xf32>,
        %parallel_loop3A_183 = arith.mulf %parallel_loop3A_182, %parallel_loop3A_179 : vector<16xf32>
        %parallel_loop3A_184 = arith.index_cast %parallel_loop3A_169 : i32 to index
        %parallel_loop3A_185 = arith.constant 0 : index
        %parallel_loop3A_186 = tpu.vector_load %arg27[%parallel_loop3A_184, %parallel_loop3A_185] {strides = array<i32>} : memref<80x128xf32, #tpu.memory_space<vmem>>, vector<16xf32>,
        tpu.vector_store %arg27[%parallel_loop3A_184, %parallel_loop3A_185], %parallel_loop3A_183 {strides = array<i32>} : memref<80x128xf32, #tpu.memory_space<vmem>>, vector<16xf32>,
        %parallel_loop3A_187 = arith.index_cast %parallel_loop3A_169 : i32 to index
        %parallel_loop3A_188 = arith.constant 16 : index
        %parallel_loop3A_189 = tpu.vector_load %arg27[%parallel_loop3A_187, %parallel_loop3A_188] {strides = array<i32>} : memref<80x128xf32, #tpu.memory_space<vmem>>, vector<16xf32>,
        %parallel_loop3A_190 = arith.mulf %parallel_loop3A_189, %parallel_loop3A_179 : vector<16xf32>
        %parallel_loop3A_191 = arith.index_cast %parallel_loop3A_169 : i32 to index
        %parallel_loop3A_192 = arith.constant 16 : index
        %parallel_loop3A_193 = tpu.vector_load %arg27[%parallel_loop3A_191, %parallel_loop3A_192] {strides = array<i32>} : memref<80x128xf32, #tpu.memory_space<vmem>>, vector<16xf32>,
        tpu.vector_store %arg27[%parallel_loop3A_191, %parallel_loop3A_192], %parallel_loop3A_190 {strides = array<i32>} : memref<80x128xf32, #tpu.memory_space<vmem>>, vector<16xf32>,
        %parallel_loop3A_194 = arith.constant 0 : i32
        %parallel_loop3A_195 = vector.broadcast %parallel_loop3A_194 : i32 to vector<16xi32>
        %parallel_loop3A_196 = arith.constant 1 : i32
        %parallel_loop3A_197 = arith.addi %parallel_loop3A_172, %parallel_loop3A_196 : i32
        %parallel_loop3A_198 = vector.broadcast %parallel_loop3A_197 : i32 to vector<16xi32>
        %parallel_loop3A_199 = arith.addi %parallel_loop3A_195, %parallel_loop3A_198 : vector<16xi32>
        %parallel_loop3A_200 = tpu.vector_load_idx %arg25[%parallel_loop3A_199] : memref<1280xf32, #tpu.memory_space<vmem>>[vector<16xi32>], vector<16xf32>,
        %parallel_loop3A_201 = arith.index_cast %parallel_loop3A_169 : i32 to index
        %parallel_loop3A_202 = arith.constant 32 : index
        %parallel_loop3A_203 = tpu.vector_load %arg27[%parallel_loop3A_201, %parallel_loop3A_202] {strides = array<i32>} : memref<80x128xf32, #tpu.memory_space<vmem>>, vector<16xf32>,
        %parallel_loop3A_204 = arith.mulf %parallel_loop3A_203, %parallel_loop3A_200 : vector<16xf32>
        %parallel_loop3A_205 = arith.index_cast %parallel_loop3A_169 : i32 to index
        %parallel_loop3A_206 = arith.constant 32 : index
        %parallel_loop3A_207 = tpu.vector_load %arg27[%parallel_loop3A_205, %parallel_loop3A_206] {strides = array<i32>} : memref<80x128xf32, #tpu.memory_space<vmem>>, vector<16xf32>,
        tpu.vector_store %arg27[%parallel_loop3A_205, %parallel_loop3A_206], %parallel_loop3A_204 {strides = array<i32>} : memref<80x128xf32, #tpu.memory_space<vmem>>, vector<16xf32>,
        %parallel_loop3A_208 = arith.index_cast %parallel_loop3A_169 : i32 to index
        %parallel_loop3A_209 = arith.constant 48 : index
        %parallel_loop3A_210 = tpu.vector_load %arg27[%parallel_loop3A_208, %parallel_loop3A_209] {strides = array<i32>} : memref<80x128xf32, #tpu.memory_space<vmem>>, vector<16xf32>,
        %parallel_loop3A_211 = arith.mulf %parallel_loop3A_210, %parallel_loop3A_200 : vector<16xf32>
        %parallel_loop3A_212 = arith.index_cast %parallel_loop3A_169 : i32 to index
        %parallel_loop3A_213 = arith.constant 48 : index
        %parallel_loop3A_214 = tpu.vector_load %arg27[%parallel_loop3A_212, %parallel_loop3A_213] {strides = array<i32>} : memref<80x128xf32, #tpu.memory_space<vmem>>, vector<16xf32>,
        tpu.vector_store %arg27[%parallel_loop3A_212, %parallel_loop3A_213], %parallel_loop3A_211 {strides = array<i32>} : memref<80x128xf32, #tpu.memory_space<vmem>>, vector<16xf32>,
        %parallel_loop3A_215 = arith.constant 0 : i32
        %parallel_loop3A_216 = vector.broadcast %parallel_loop3A_215 : i32 to vector<16xi32>
        %parallel_loop3A_217 = arith.constant 2 : i32
        %parallel_loop3A_218 = arith.addi %parallel_loop3A_172, %parallel_loop3A_217 : i32
        %parallel_loop3A_219 = vector.broadcast %parallel_loop3A_218 : i32 to vector<16xi32>
        %parallel_loop3A_220 = arith.addi %parallel_loop3A_216, %parallel_loop3A_219 : vector<16xi32>
        %parallel_loop3A_221 = tpu.vector_load_idx %arg25[%parallel_loop3A_220] : memref<1280xf32, #tpu.memory_space<vmem>>[vector<16xi32>], vector<16xf32>,
        %parallel_loop3A_222 = arith.index_cast %parallel_loop3A_169 : i32 to index
        %parallel_loop3A_223 = arith.constant 64 : index
        %parallel_loop3A_224 = tpu.vector_load %arg27[%parallel_loop3A_222, %parallel_loop3A_223] {strides = array<i32>} : memref<80x128xf32, #tpu.memory_space<vmem>>, vector<16xf32>,
        %parallel_loop3A_225 = arith.mulf %parallel_loop3A_224, %parallel_loop3A_221 : vector<16xf32>
        %parallel_loop3A_226 = arith.index_cast %parallel_loop3A_169 : i32 to index
        %parallel_loop3A_227 = arith.constant 64 : index
        %parallel_loop3A_228 = tpu.vector_load %arg27[%parallel_loop3A_226, %parallel_loop3A_227] {strides = array<i32>} : memref<80x128xf32, #tpu.memory_space<vmem>>, vector<16xf32>,
        tpu.vector_store %arg27[%parallel_loop3A_226, %parallel_loop3A_227], %parallel_loop3A_225 {strides = array<i32>} : memref<80x128xf32, #tpu.memory_space<vmem>>, vector<16xf32>,
        %parallel_loop3A_229 = arith.index_cast %parallel_loop3A_169 : i32 to index
        %parallel_loop3A_230 = arith.constant 80 : index
        %parallel_loop3A_231 = tpu.vector_load %arg27[%parallel_loop3A_229, %parallel_loop3A_230] {strides = array<i32>} : memref<80x128xf32, #tpu.memory_space<vmem>>, vector<16xf32>,
        %parallel_loop3A_232 = arith.mulf %parallel_loop3A_231, %parallel_loop3A_221 : vector<16xf32>
        %parallel_loop3A_233 = arith.index_cast %parallel_loop3A_169 : i32 to index
        %parallel_loop3A_234 = arith.constant 80 : index
        %parallel_loop3A_235 = tpu.vector_load %arg27[%parallel_loop3A_233, %parallel_loop3A_234] {strides = array<i32>} : memref<80x128xf32, #tpu.memory_space<vmem>>, vector<16xf32>,
        tpu.vector_store %arg27[%parallel_loop3A_233, %parallel_loop3A_234], %parallel_loop3A_232 {strides = array<i32>} : memref<80x128xf32, #tpu.memory_space<vmem>>, vector<16xf32>,
        %parallel_loop3A_236 = arith.constant 0 : i32
        %parallel_loop3A_237 = vector.broadcast %parallel_loop3A_236 : i32 to vector<16xi32>
        %parallel_loop3A_238 = arith.constant 3 : i32
        %parallel_loop3A_239 = arith.addi %parallel_loop3A_172, %parallel_loop3A_238 : i32
        %parallel_loop3A_240 = vector.broadcast %parallel_loop3A_239 : i32 to vector<16xi32>
        %parallel_loop3A_241 = arith.addi %parallel_loop3A_237, %parallel_loop3A_240 : vector<16xi32>
        %parallel_loop3A_242 = tpu.vector_load_idx %arg25[%parallel_loop3A_241] : memref<1280xf32, #tpu.memory_space<vmem>>[vector<16xi32>], vector<16xf32>,
        %parallel_loop3A_243 = arith.index_cast %parallel_loop3A_169 : i32 to index
        %parallel_loop3A_244 = arith.constant 96 : index
        %parallel_loop3A_245 = tpu.vector_load %arg27[%parallel_loop3A_243, %parallel_loop3A_244] {strides = array<i32>} : memref<80x128xf32, #tpu.memory_space<vmem>>, vector<16xf32>,
        %parallel_loop3A_246 = arith.mulf %parallel_loop3A_245, %parallel_loop3A_242 : vector<16xf32>
        %parallel_loop3A_247 = arith.index_cast %parallel_loop3A_169 : i32 to index
        %parallel_loop3A_248 = arith.constant 96 : index
        %parallel_loop3A_249 = tpu.vector_load %arg27[%parallel_loop3A_247, %parallel_loop3A_248] {strides = array<i32>} : memref<80x128xf32, #tpu.memory_space<vmem>>, vector<16xf32>,
        tpu.vector_store %arg27[%parallel_loop3A_247, %parallel_loop3A_248], %parallel_loop3A_246 {strides = array<i32>} : memref<80x128xf32, #tpu.memory_space<vmem>>, vector<16xf32>,
        %parallel_loop3A_250 = arith.index_cast %parallel_loop3A_169 : i32 to index
        %parallel_loop3A_251 = arith.constant 112 : index
        %parallel_loop3A_252 = tpu.vector_load %arg27[%parallel_loop3A_250, %parallel_loop3A_251] {strides = array<i32>} : memref<80x128xf32, #tpu.memory_space<vmem>>, vector<16xf32>,
        %parallel_loop3A_253 = arith.mulf %parallel_loop3A_252, %parallel_loop3A_242 : vector<16xf32>
        %parallel_loop3A_254 = arith.index_cast %parallel_loop3A_169 : i32 to index
        %parallel_loop3A_255 = arith.constant 112 : index
        %parallel_loop3A_256 = tpu.vector_load %arg27[%parallel_loop3A_254, %parallel_loop3A_255] {strides = array<i32>} : memref<80x128xf32, #tpu.memory_space<vmem>>, vector<16xf32>,
        tpu.vector_store %arg27[%parallel_loop3A_254, %parallel_loop3A_255], %parallel_loop3A_253 {strides = array<i32>} : memref<80x128xf32, #tpu.memory_space<vmem>>, vector<16xf32>,
      } {sc.loop_unroll_factor = 4 : i64, sc.parallel_access}
      "tpu.region"() ({
        %run_scoped3A = tpu.sem_alloc : memref<!tpu.dma_semaphore, #tpu.memory_space<semaphore_mem>>
        %dma_start3A_169 = arith.constant 0 : i32
        %dma_start3A_170 = arith.constant 0 : i32
        %dma_start3A_171 = tpu.memref_slice %arg39[%dma_start3A_169, %dma_start3A_170] : memref<10000x128xf32, #tpu.memory_space<vmem_shared>> -> memref<10000x128xf32, #tpu.memory_space<vmem_shared>>
        tpu.enqueue_indirect_dma source(%arg27 : memref<80x128xf32, #tpu.memory_space<vmem>>) target(%dma_start3A_171 : memref<10000x128xf32, #tpu.memory_space<vmem_shared>>) offsets(%arg15 : memref<80xi32, #tpu.memory_space<vmem>>) semaphore(%run_scoped3A : memref<!tpu.dma_semaphore, #tpu.memory_space<semaphore_mem>>) {add = true}
        %dma_wait3A_172 = arith.constant 0 : i32
        %dma_wait3A_173 = arith.constant 0 : i32
        %dma_wait3A_174 = tpu.memref_slice %arg39[%dma_wait3A_172, %dma_wait3A_173] : memref<10000x128xf32, #tpu.memory_space<vmem_shared>> -> memref<10000x128xf32, #tpu.memory_space<vmem_shared>>
        tpu.wait_indirect_dma semaphore(%run_scoped3A : memref<!tpu.dma_semaphore, #tpu.memory_space<semaphore_mem>>) src(%arg27 : memref<80x128xf32, #tpu.memory_space<vmem>>) dst(%dma_wait3A_174 : memref<10000x128xf32, #tpu.memory_space<vmem_shared>>)
        tpu.yield
      }) : () -> ()
      %add3A_132 = arith.constant 2 : i32
      %add3A_133 = arith.addi %mul3A_76, %add3A_132 : i32
      %lt3A_134 = arith.constant 250 : i32
      %lt3A_135 = arith.cmpi slt, %add3A_133, %lt3A_134 : i32
      %convert_element_type3A_136 = arith.extui %lt3A_135 : i1 to i32
      %cond3A_137 = arith.constant 0 : i32
      %cond3A_138 = arith.cmpi ne, %convert_element_type3A_136, %cond3A_137 : i32
      scf.if %cond3A_138 {
        %add3A_169 = arith.constant 2 : i32
        %add3A_170 = arith.addi %mul3A_76, %add3A_169 : i32
        %dma_wait3A_171 = arith.constant 0 : i32
        %dma_wait3A_172 = tpu.memref_slice %arg2[%arg1, %add3A_170, %dma_wait3A_171] : memref<16x250x80xi32, #tpu.memory_space<hbm>> -> memref<1x1x80xi32, #tpu.memory_space<hbm>>
        %dma_wait3A_173 = tpu.memref_squeeze %dma_wait3A_172 : memref<1x1x80xi32, #tpu.memory_space<hbm>> -> memref<80xi32, #tpu.memory_space<hbm>>
        %dma_wait3A_174 = arith.constant 0 : i32
        %dma_wait3A_175 = tpu.memref_slice %arg2[%arg1, %add3A_170, %dma_wait3A_174] : memref<16x250x80xi32, #tpu.memory_space<hbm>> -> memref<1x1x80xi32, #tpu.memory_space<hbm>>
        %dma_wait3A_176 = tpu.memref_squeeze %dma_wait3A_175 : memref<1x1x80xi32, #tpu.memory_space<hbm>> -> memref<80xi32, #tpu.memory_space<hbm>>
        tpu.wait_dma2 semaphore(%arg29 : memref<!tpu.dma_semaphore, #tpu.memory_space<semaphore_mem>>) src(%dma_wait3A_176 : memref<80xi32, #tpu.memory_space<hbm>>) dst(%arg11 : memref<80xi32, #tpu.memory_space<vmem>>)
        %dma_wait3A_177 = arith.constant 0 : i32
        %dma_wait3A_178 = tpu.memref_slice %arg3[%arg1, %add3A_170, %dma_wait3A_177] : memref<16x250x80xi32, #tpu.memory_space<hbm>> -> memref<1x1x80xi32, #tpu.memory_space<hbm>>
        %dma_wait3A_179 = tpu.memref_squeeze %dma_wait3A_178 : memref<1x1x80xi32, #tpu.memory_space<hbm>> -> memref<80xi32, #tpu.memory_space<hbm>>
        %dma_wait3A_180 = arith.constant 0 : i32
        %dma_wait3A_181 = tpu.memref_slice %arg3[%arg1, %add3A_170, %dma_wait3A_180] : memref<16x250x80xi32, #tpu.memory_space<hbm>> -> memref<1x1x80xi32, #tpu.memory_space<hbm>>
        %dma_wait3A_182 = tpu.memref_squeeze %dma_wait3A_181 : memref<1x1x80xi32, #tpu.memory_space<hbm>> -> memref<80xi32, #tpu.memory_space<hbm>>
        tpu.wait_dma2 semaphore(%arg31 : memref<!tpu.dma_semaphore, #tpu.memory_space<semaphore_mem>>) src(%dma_wait3A_182 : memref<80xi32, #tpu.memory_space<hbm>>) dst(%arg13 : memref<80xi32, #tpu.memory_space<vmem>>)
        %parallel_loop3A_183 = arith.constant 0 : i32
        %parallel_loop3A_184 = arith.constant 5 : i32
        %parallel_loop3A_185 = arith.constant 1 : i32
        scf.for %parallel_loop3A_195 = %parallel_loop3A_183 to %parallel_loop3A_184 step %parallel_loop3A_185  : i32 {
          %parallel_loop3A_196 = arith.constant 16 : i32
          %parallel_loop3A_197 = arith.muli %parallel_loop3A_195, %parallel_loop3A_196 : i32
          %parallel_loop3A_198 = arith.index_cast %parallel_loop3A_197 : i32 to index
          %parallel_loop3A_199 = tpu.vector_load %arg11[%parallel_loop3A_198] {strides = array<i32>} : memref<80xi32, #tpu.memory_space<vmem>>, vector<16xi32>,
          %parallel_loop3A_200 = arith.constant 2 : i32
          %parallel_loop3A_201 = vector.broadcast %parallel_loop3A_200 : i32 to vector<16xi32>
          %parallel_loop3A_202 = arith.muli %parallel_loop3A_199, %parallel_loop3A_201 : vector<16xi32>
          %parallel_loop3A_203 = vector.broadcast %arg0 : i32 to vector<16xi32>
          %parallel_loop3A_204 = arith.addi %parallel_loop3A_202, %parallel_loop3A_203 : vector<16xi32>
          %parallel_loop3A_205 = arith.constant 16 : i32
          %parallel_loop3A_206 = arith.muli %parallel_loop3A_195, %parallel_loop3A_205 : i32
          %parallel_loop3A_207 = arith.index_cast %parallel_loop3A_206 : i32 to index
          %parallel_loop3A_208 = tpu.vector_load %arg17[%parallel_loop3A_207] {strides = array<i32>} : memref<80xi32, #tpu.memory_space<vmem>>, vector<16xi32>,
          tpu.vector_store %arg17[%parallel_loop3A_207], %parallel_loop3A_204 {strides = array<i32>} : memref<80xi32, #tpu.memory_space<vmem>>, vector<16xi32>,
        } {sc.loop_unroll_factor = 5 : i64, sc.parallel_access}
        %dma_start3A_186 = arith.constant 0 : i32
        %dma_start3A_187 = arith.constant 0 : i32
        %dma_start3A_188 = tpu.memref_slice %arg5[%dma_start3A_186, %dma_start3A_187] : memref<10000x16xf32, #tpu.memory_space<hbm>> -> memref<10000x16xf32, #tpu.memory_space<hbm>>
        tpu.enqueue_indirect_dma source(%dma_start3A_188 : memref<10000x16xf32, #tpu.memory_space<hbm>>) target(%arg19 : memref<80x16xf32, #tpu.memory_space<vmem>>) offsets(%arg11 : memref<80xi32, #tpu.memory_space<vmem>>) semaphore(%arg33 : memref<!tpu.dma_semaphore, #tpu.memory_space<semaphore_mem>>)
        %dma_start3A_189 = arith.constant 0 : i32
        %dma_start3A_190 = arith.constant 0 : i32
        %dma_start3A_191 = tpu.memref_slice %arg6[%dma_start3A_189, %dma_start3A_190] : memref<10000x16xf32, #tpu.memory_space<hbm>> -> memref<10000x16xf32, #tpu.memory_space<hbm>>
        tpu.enqueue_indirect_dma source(%dma_start3A_191 : memref<10000x16xf32, #tpu.memory_space<hbm>>) target(%arg21 : memref<80x16xf32, #tpu.memory_space<vmem>>) offsets(%arg13 : memref<80xi32, #tpu.memory_space<vmem>>) semaphore(%arg35 : memref<!tpu.dma_semaphore, #tpu.memory_space<semaphore_mem>>)
        %dma_start3A_192 = arith.constant 0 : i32
        %dma_start3A_193 = arith.constant 0 : i32
        %dma_start3A_194 = tpu.memref_slice %arg4[%dma_start3A_192, %dma_start3A_193] : memref<20000x128xf32, #tpu.memory_space<hbm>> -> memref<20000x128xf32, #tpu.memory_space<hbm>>
        tpu.enqueue_indirect_dma source(%dma_start3A_194 : memref<20000x128xf32, #tpu.memory_space<hbm>>) target(%arg27 : memref<80x128xf32, #tpu.memory_space<vmem>>) offsets(%arg17 : memref<80xi32, #tpu.memory_space<vmem>>) semaphore(%arg37 : memref<!tpu.dma_semaphore, #tpu.memory_space<semaphore_mem>>)
      } else {
      }
      %dma_wait3A_139 = arith.constant 0 : i32
      %dma_wait3A_140 = arith.constant 0 : i32
      %dma_wait3A_141 = tpu.memref_slice %arg5[%dma_wait3A_139, %dma_wait3A_140] : memref<10000x16xf32, #tpu.memory_space<hbm>> -> memref<10000x16xf32, #tpu.memory_space<hbm>>
      tpu.wait_indirect_dma semaphore(%arg34 : memref<!tpu.dma_semaphore, #tpu.memory_space<semaphore_mem>>) src(%dma_wait3A_141 : memref<10000x16xf32, #tpu.memory_space<hbm>>) dst(%arg20 : memref<80x16xf32, #tpu.memory_space<vmem>>)
      %dma_wait3A_142 = arith.constant 0 : i32
      %dma_wait3A_143 = arith.constant 0 : i32
      %dma_wait3A_144 = tpu.memref_slice %arg6[%dma_wait3A_142, %dma_wait3A_143] : memref<10000x16xf32, #tpu.memory_space<hbm>> -> memref<10000x16xf32, #tpu.memory_space<hbm>>
      tpu.wait_indirect_dma semaphore(%arg36 : memref<!tpu.dma_semaphore, #tpu.memory_space<semaphore_mem>>) src(%dma_wait3A_144 : memref<10000x16xf32, #tpu.memory_space<hbm>>) dst(%arg22 : memref<80x16xf32, #tpu.memory_space<vmem>>)
      %parallel_loop3A_145 = arith.constant 0 : i32
      %parallel_loop3A_146 = arith.constant 80 : i32
      %parallel_loop3A_147 = arith.constant 1 : i32
      scf.for %parallel_loop3A_169 = %parallel_loop3A_145 to %parallel_loop3A_146 step %parallel_loop3A_147  : i32 {
        %parallel_loop3A_170 = arith.index_cast %parallel_loop3A_169 : i32 to index
        %parallel_loop3A_171 = arith.constant 0 : index
        %parallel_loop3A_172 = tpu.vector_load %arg20[%parallel_loop3A_170, %parallel_loop3A_171] {strides = array<i32>} : memref<80x16xf32, #tpu.memory_space<vmem>>, vector<16xf32>,
        %parallel_loop3A_173 = arith.index_cast %parallel_loop3A_169 : i32 to index
        %parallel_loop3A_174 = arith.constant 0 : index
        %parallel_loop3A_175 = tpu.vector_load %arg22[%parallel_loop3A_173, %parallel_loop3A_174] {strides = array<i32>} : memref<80x16xf32, #tpu.memory_space<vmem>>, vector<16xf32>,
        %parallel_loop3A_176 = arith.addf %parallel_loop3A_172, %parallel_loop3A_175 : vector<16xf32>
        %parallel_loop3A_177 = arith.constant 2.000000e-01 : f32
        %parallel_loop3A_178 = vector.broadcast %parallel_loop3A_177 : f32 to vector<16xf32>
        %parallel_loop3A_179 = arith.mulf %parallel_loop3A_176, %parallel_loop3A_178 : vector<16xf32>
        %parallel_loop3A_180 = arith.maximumf %parallel_loop3A_176, %parallel_loop3A_179 : vector<16xf32>
        %parallel_loop3A_181 = math.exp %parallel_loop3A_180 : vector<16xf32>
        %parallel_loop3A_182 = arith.index_cast %parallel_loop3A_169 : i32 to index
        %parallel_loop3A_183 = arith.constant 0 : index
        %parallel_loop3A_184 = tpu.vector_load %arg24[%parallel_loop3A_182, %parallel_loop3A_183] {strides = array<i32>} : memref<80x16xf32, #tpu.memory_space<vmem>>, vector<16xf32>,
        tpu.vector_store %arg24[%parallel_loop3A_182, %parallel_loop3A_183], %parallel_loop3A_181 {strides = array<i32>} : memref<80x16xf32, #tpu.memory_space<vmem>>, vector<16xf32>,
        %parallel_loop3A_185 = arith.constant 16 : i32
        %parallel_loop3A_186 = arith.muli %parallel_loop3A_169, %parallel_loop3A_185 : i32
        %parallel_loop3A_187 = arith.index_cast %parallel_loop3A_186 : i32 to index
        %parallel_loop3A_188 = tpu.vector_load %arg26[%parallel_loop3A_187] {strides = array<i32>} : memref<1280xf32, #tpu.memory_space<vmem>>, vector<16xf32>,
        tpu.vector_store %arg26[%parallel_loop3A_187], %parallel_loop3A_181 {strides = array<i32>} : memref<1280xf32, #tpu.memory_space<vmem>>, vector<16xf32>,
      } {sc.loop_unroll_factor = 8 : i64, sc.parallel_access}
      %parallel_loop3A_148 = arith.constant 0 : i32
      %parallel_loop3A_149 = arith.constant 5 : i32
      %parallel_loop3A_150 = arith.constant 1 : i32
      scf.for %parallel_loop3A_169 = %parallel_loop3A_148 to %parallel_loop3A_149 step %parallel_loop3A_150  : i32 {
        %parallel_loop3A_170 = arith.constant 16 : i32
        %parallel_loop3A_171 = arith.muli %parallel_loop3A_169, %parallel_loop3A_170 : i32
        %parallel_loop3A_172 = arith.index_cast %parallel_loop3A_171 : i32 to index
        %parallel_loop3A_173 = tpu.vector_load %arg14[%parallel_loop3A_172] {strides = array<i32>} : memref<80xi32, #tpu.memory_space<vmem>>, vector<16xi32>,
        %parallel_loop3A_174 = arith.constant 16 : i32
        %parallel_loop3A_175 = arith.muli %parallel_loop3A_169, %parallel_loop3A_174 : i32
        %parallel_loop3A_176 = arith.index_cast %parallel_loop3A_175 : i32 to index
        %parallel_loop3A_177 = tpu.vector_load %arg16[%parallel_loop3A_176] {strides = array<i32>} : memref<80xi32, #tpu.memory_space<vmem>>, vector<16xi32>,
        tpu.vector_store %arg16[%parallel_loop3A_176], %parallel_loop3A_173 {strides = array<i32>} : memref<80xi32, #tpu.memory_space<vmem>>, vector<16xi32>,
      } {sc.loop_unroll_factor = 5 : i64, sc.parallel_access}
      %eq3A_151 = arith.constant 0 : i32
      %eq3A_152 = arith.cmpi eq, %arg0, %eq3A_151 : i32
      %convert_element_type3A_153 = arith.extui %eq3A_152 : i1 to i32
      %cond3A_154 = arith.constant 0 : i32
      %cond3A_155 = arith.cmpi ne, %convert_element_type3A_153, %cond3A_154 : i32
      scf.if %cond3A_155 {
        "tpu.region"() ({
          %run_scoped3A = tpu.sem_alloc : memref<!tpu.dma_semaphore, #tpu.memory_space<semaphore_mem>>
          %dma_start3A_169 = arith.constant 0 : i32
          %dma_start3A_170 = arith.constant 0 : i32
          %dma_start3A_171 = tpu.memref_slice %arg40[%dma_start3A_169, %dma_start3A_170] : memref<10000x16xf32, #tpu.memory_space<vmem_shared>> -> memref<10000x16xf32, #tpu.memory_space<vmem_shared>>
          tpu.enqueue_indirect_dma source(%arg24 : memref<80x16xf32, #tpu.memory_space<vmem>>) target(%dma_start3A_171 : memref<10000x16xf32, #tpu.memory_space<vmem_shared>>) offsets(%arg16 : memref<80xi32, #tpu.memory_space<vmem>>) semaphore(%run_scoped3A : memref<!tpu.dma_semaphore, #tpu.memory_space<semaphore_mem>>) {add = true}
          %dma_wait3A_172 = arith.constant 0 : i32
          %dma_wait3A_173 = arith.constant 0 : i32
          %dma_wait3A_174 = tpu.memref_slice %arg40[%dma_wait3A_172, %dma_wait3A_173] : memref<10000x16xf32, #tpu.memory_space<vmem_shared>> -> memref<10000x16xf32, #tpu.memory_space<vmem_shared>>
          tpu.wait_indirect_dma semaphore(%run_scoped3A : memref<!tpu.dma_semaphore, #tpu.memory_space<semaphore_mem>>) src(%arg24 : memref<80x16xf32, #tpu.memory_space<vmem>>) dst(%dma_wait3A_174 : memref<10000x16xf32, #tpu.memory_space<vmem_shared>>)
          tpu.yield
        }) : () -> ()
      } else {
      }
      %dma_wait3A_156 = arith.constant 0 : i32
      %dma_wait3A_157 = arith.constant 0 : i32
      %dma_wait3A_158 = tpu.memref_slice %arg4[%dma_wait3A_156, %dma_wait3A_157] : memref<20000x128xf32, #tpu.memory_space<hbm>> -> memref<20000x128xf32, #tpu.memory_space<hbm>>
      tpu.wait_indirect_dma semaphore(%arg38 : memref<!tpu.dma_semaphore, #tpu.memory_space<semaphore_mem>>) src(%dma_wait3A_158 : memref<20000x128xf32, #tpu.memory_space<hbm>>) dst(%arg28 : memref<80x128xf32, #tpu.memory_space<vmem>>)
      %add3A_159 = arith.constant 2 : i32
      %add3A_160 = arith.addi %add3A_77, %add3A_159 : i32
      %lt3A_161 = arith.constant 250 : i32
      %lt3A_162 = arith.cmpi slt, %add3A_160, %lt3A_161 : i32
      %convert_element_type3A_163 = arith.extui %lt3A_162 : i1 to i32
      %cond3A_164 = arith.constant 0 : i32
      %cond3A_165 = arith.cmpi ne, %convert_element_type3A_163, %cond3A_164 : i32
      scf.if %cond3A_165 {
        %add3A_169 = arith.constant 2 : i32
        %add3A_170 = arith.addi %add3A_77, %add3A_169 : i32
        %dma_start3A_171 = arith.constant 0 : i32
        %dma_start3A_172 = tpu.memref_slice %arg2[%arg1, %add3A_170, %dma_start3A_171] : memref<16x250x80xi32, #tpu.memory_space<hbm>> -> memref<1x1x80xi32, #tpu.memory_space<hbm>>
        %dma_start3A_173 = tpu.memref_squeeze %dma_start3A_172 : memref<1x1x80xi32, #tpu.memory_space<hbm>> -> memref<80xi32, #tpu.memory_space<hbm>>
        %dma_start3A_174 = arith.constant 0 : i32
        %dma_start3A_175 = tpu.memref_slice %arg2[%arg1, %add3A_170, %dma_start3A_174] : memref<16x250x80xi32, #tpu.memory_space<hbm>> -> memref<1x1x80xi32, #tpu.memory_space<hbm>>
        %dma_start3A_176 = tpu.memref_squeeze %dma_start3A_175 : memref<1x1x80xi32, #tpu.memory_space<hbm>> -> memref<80xi32, #tpu.memory_space<hbm>>
        tpu.enqueue_dma source(%dma_start3A_176 : memref<80xi32, #tpu.memory_space<hbm>>) target(%arg12 : memref<80xi32, #tpu.memory_space<vmem>>) target_semaphore(%arg30 : memref<!tpu.dma_semaphore, #tpu.memory_space<semaphore_mem>>)
        %dma_start3A_177 = arith.constant 0 : i32
        %dma_start3A_178 = tpu.memref_slice %arg3[%arg1, %add3A_170, %dma_start3A_177] : memref<16x250x80xi32, #tpu.memory_space<hbm>> -> memref<1x1x80xi32, #tpu.memory_space<hbm>>
        %dma_start3A_179 = tpu.memref_squeeze %dma_start3A_178 : memref<1x1x80xi32, #tpu.memory_space<hbm>> -> memref<80xi32, #tpu.memory_space<hbm>>
        %dma_start3A_180 = arith.constant 0 : i32
        %dma_start3A_181 = tpu.memref_slice %arg3[%arg1, %add3A_170, %dma_start3A_180] : memref<16x250x80xi32, #tpu.memory_space<hbm>> -> memref<1x1x80xi32, #tpu.memory_space<hbm>>
        %dma_start3A_182 = tpu.memref_squeeze %dma_start3A_181 : memref<1x1x80xi32, #tpu.memory_space<hbm>> -> memref<80xi32, #tpu.memory_space<hbm>>
        tpu.enqueue_dma source(%dma_start3A_182 : memref<80xi32, #tpu.memory_space<hbm>>) target(%arg14 : memref<80xi32, #tpu.memory_space<vmem>>) target_semaphore(%arg32 : memref<!tpu.dma_semaphore, #tpu.memory_space<semaphore_mem>>)
      } else {
      }
      %parallel_loop3A_166 = arith.constant 0 : i32
      %parallel_loop3A_167 = arith.constant 80 : i32
      %parallel_loop3A_168 = arith.constant 1 : i32
      scf.for %parallel_loop3A_169 = %parallel_loop3A_166 to %parallel_loop3A_167 step %parallel_loop3A_168  : i32 {
        %parallel_loop3A_170 = arith.constant 16 : i32
        %parallel_loop3A_171 = arith.muli %parallel_loop3A_169, %parallel_loop3A_170 : i32
        %parallel_loop3A_172 = arith.addi %parallel_loop3A_171, %mul3A_6 : i32
        %parallel_loop3A_173 = arith.constant 0 : i32
        %parallel_loop3A_174 = vector.broadcast %parallel_loop3A_173 : i32 to vector<16xi32>
        %parallel_loop3A_175 = arith.constant 0 : i32
        %parallel_loop3A_176 = arith.addi %parallel_loop3A_172, %parallel_loop3A_175 : i32
        %parallel_loop3A_177 = vector.broadcast %parallel_loop3A_176 : i32 to vector<16xi32>
        %parallel_loop3A_178 = arith.addi %parallel_loop3A_174, %parallel_loop3A_177 : vector<16xi32>
        %parallel_loop3A_179 = tpu.vector_load_idx %arg26[%parallel_loop3A_178] : memref<1280xf32, #tpu.memory_space<vmem>>[vector<16xi32>], vector<16xf32>,
        %parallel_loop3A_180 = arith.index_cast %parallel_loop3A_169 : i32 to index
        %parallel_loop3A_181 = arith.constant 0 : index
        %parallel_loop3A_182 = tpu.vector_load %arg28[%parallel_loop3A_180, %parallel_loop3A_181] {strides = array<i32>} : memref<80x128xf32, #tpu.memory_space<vmem>>, vector<16xf32>,
        %parallel_loop3A_183 = arith.mulf %parallel_loop3A_182, %parallel_loop3A_179 : vector<16xf32>
        %parallel_loop3A_184 = arith.index_cast %parallel_loop3A_169 : i32 to index
        %parallel_loop3A_185 = arith.constant 0 : index
        %parallel_loop3A_186 = tpu.vector_load %arg28[%parallel_loop3A_184, %parallel_loop3A_185] {strides = array<i32>} : memref<80x128xf32, #tpu.memory_space<vmem>>, vector<16xf32>,
        tpu.vector_store %arg28[%parallel_loop3A_184, %parallel_loop3A_185], %parallel_loop3A_183 {strides = array<i32>} : memref<80x128xf32, #tpu.memory_space<vmem>>, vector<16xf32>,
        %parallel_loop3A_187 = arith.index_cast %parallel_loop3A_169 : i32 to index
        %parallel_loop3A_188 = arith.constant 16 : index
        %parallel_loop3A_189 = tpu.vector_load %arg28[%parallel_loop3A_187, %parallel_loop3A_188] {strides = array<i32>} : memref<80x128xf32, #tpu.memory_space<vmem>>, vector<16xf32>,
        %parallel_loop3A_190 = arith.mulf %parallel_loop3A_189, %parallel_loop3A_179 : vector<16xf32>
        %parallel_loop3A_191 = arith.index_cast %parallel_loop3A_169 : i32 to index
        %parallel_loop3A_192 = arith.constant 16 : index
        %parallel_loop3A_193 = tpu.vector_load %arg28[%parallel_loop3A_191, %parallel_loop3A_192] {strides = array<i32>} : memref<80x128xf32, #tpu.memory_space<vmem>>, vector<16xf32>,
        tpu.vector_store %arg28[%parallel_loop3A_191, %parallel_loop3A_192], %parallel_loop3A_190 {strides = array<i32>} : memref<80x128xf32, #tpu.memory_space<vmem>>, vector<16xf32>,
        %parallel_loop3A_194 = arith.constant 0 : i32
        %parallel_loop3A_195 = vector.broadcast %parallel_loop3A_194 : i32 to vector<16xi32>
        %parallel_loop3A_196 = arith.constant 1 : i32
        %parallel_loop3A_197 = arith.addi %parallel_loop3A_172, %parallel_loop3A_196 : i32
        %parallel_loop3A_198 = vector.broadcast %parallel_loop3A_197 : i32 to vector<16xi32>
        %parallel_loop3A_199 = arith.addi %parallel_loop3A_195, %parallel_loop3A_198 : vector<16xi32>
        %parallel_loop3A_200 = tpu.vector_load_idx %arg26[%parallel_loop3A_199] : memref<1280xf32, #tpu.memory_space<vmem>>[vector<16xi32>], vector<16xf32>,
        %parallel_loop3A_201 = arith.index_cast %parallel_loop3A_169 : i32 to index
        %parallel_loop3A_202 = arith.constant 32 : index
        %parallel_loop3A_203 = tpu.vector_load %arg28[%parallel_loop3A_201, %parallel_loop3A_202] {strides = array<i32>} : memref<80x128xf32, #tpu.memory_space<vmem>>, vector<16xf32>,
        %parallel_loop3A_204 = arith.mulf %parallel_loop3A_203, %parallel_loop3A_200 : vector<16xf32>
        %parallel_loop3A_205 = arith.index_cast %parallel_loop3A_169 : i32 to index
        %parallel_loop3A_206 = arith.constant 32 : index
        %parallel_loop3A_207 = tpu.vector_load %arg28[%parallel_loop3A_205, %parallel_loop3A_206] {strides = array<i32>} : memref<80x128xf32, #tpu.memory_space<vmem>>, vector<16xf32>,
        tpu.vector_store %arg28[%parallel_loop3A_205, %parallel_loop3A_206], %parallel_loop3A_204 {strides = array<i32>} : memref<80x128xf32, #tpu.memory_space<vmem>>, vector<16xf32>,
        %parallel_loop3A_208 = arith.index_cast %parallel_loop3A_169 : i32 to index
        %parallel_loop3A_209 = arith.constant 48 : index
        %parallel_loop3A_210 = tpu.vector_load %arg28[%parallel_loop3A_208, %parallel_loop3A_209] {strides = array<i32>} : memref<80x128xf32, #tpu.memory_space<vmem>>, vector<16xf32>,
        %parallel_loop3A_211 = arith.mulf %parallel_loop3A_210, %parallel_loop3A_200 : vector<16xf32>
        %parallel_loop3A_212 = arith.index_cast %parallel_loop3A_169 : i32 to index
        %parallel_loop3A_213 = arith.constant 48 : index
        %parallel_loop3A_214 = tpu.vector_load %arg28[%parallel_loop3A_212, %parallel_loop3A_213] {strides = array<i32>} : memref<80x128xf32, #tpu.memory_space<vmem>>, vector<16xf32>,
        tpu.vector_store %arg28[%parallel_loop3A_212, %parallel_loop3A_213], %parallel_loop3A_211 {strides = array<i32>} : memref<80x128xf32, #tpu.memory_space<vmem>>, vector<16xf32>,
        %parallel_loop3A_215 = arith.constant 0 : i32
        %parallel_loop3A_216 = vector.broadcast %parallel_loop3A_215 : i32 to vector<16xi32>
        %parallel_loop3A_217 = arith.constant 2 : i32
        %parallel_loop3A_218 = arith.addi %parallel_loop3A_172, %parallel_loop3A_217 : i32
        %parallel_loop3A_219 = vector.broadcast %parallel_loop3A_218 : i32 to vector<16xi32>
        %parallel_loop3A_220 = arith.addi %parallel_loop3A_216, %parallel_loop3A_219 : vector<16xi32>
        %parallel_loop3A_221 = tpu.vector_load_idx %arg26[%parallel_loop3A_220] : memref<1280xf32, #tpu.memory_space<vmem>>[vector<16xi32>], vector<16xf32>,
        %parallel_loop3A_222 = arith.index_cast %parallel_loop3A_169 : i32 to index
        %parallel_loop3A_223 = arith.constant 64 : index
        %parallel_loop3A_224 = tpu.vector_load %arg28[%parallel_loop3A_222, %parallel_loop3A_223] {strides = array<i32>} : memref<80x128xf32, #tpu.memory_space<vmem>>, vector<16xf32>,
        %parallel_loop3A_225 = arith.mulf %parallel_loop3A_224, %parallel_loop3A_221 : vector<16xf32>
        %parallel_loop3A_226 = arith.index_cast %parallel_loop3A_169 : i32 to index
        %parallel_loop3A_227 = arith.constant 64 : index
        %parallel_loop3A_228 = tpu.vector_load %arg28[%parallel_loop3A_226, %parallel_loop3A_227] {strides = array<i32>} : memref<80x128xf32, #tpu.memory_space<vmem>>, vector<16xf32>,
        tpu.vector_store %arg28[%parallel_loop3A_226, %parallel_loop3A_227], %parallel_loop3A_225 {strides = array<i32>} : memref<80x128xf32, #tpu.memory_space<vmem>>, vector<16xf32>,
        %parallel_loop3A_229 = arith.index_cast %parallel_loop3A_169 : i32 to index
        %parallel_loop3A_230 = arith.constant 80 : index
        %parallel_loop3A_231 = tpu.vector_load %arg28[%parallel_loop3A_229, %parallel_loop3A_230] {strides = array<i32>} : memref<80x128xf32, #tpu.memory_space<vmem>>, vector<16xf32>,
        %parallel_loop3A_232 = arith.mulf %parallel_loop3A_231, %parallel_loop3A_221 : vector<16xf32>
        %parallel_loop3A_233 = arith.index_cast %parallel_loop3A_169 : i32 to index
        %parallel_loop3A_234 = arith.constant 80 : index
        %parallel_loop3A_235 = tpu.vector_load %arg28[%parallel_loop3A_233, %parallel_loop3A_234] {strides = array<i32>} : memref<80x128xf32, #tpu.memory_space<vmem>>, vector<16xf32>,
        tpu.vector_store %arg28[%parallel_loop3A_233, %parallel_loop3A_234], %parallel_loop3A_232 {strides = array<i32>} : memref<80x128xf32, #tpu.memory_space<vmem>>, vector<16xf32>,
        %parallel_loop3A_236 = arith.constant 0 : i32
        %parallel_loop3A_237 = vector.broadcast %parallel_loop3A_236 : i32 to vector<16xi32>
        %parallel_loop3A_238 = arith.constant 3 : i32
        %parallel_loop3A_239 = arith.addi %parallel_loop3A_172, %parallel_loop3A_238 : i32
        %parallel_loop3A_240 = vector.broadcast %parallel_loop3A_239 : i32 to vector<16xi32>
        %parallel_loop3A_241 = arith.addi %parallel_loop3A_237, %parallel_loop3A_240 : vector<16xi32>
        %parallel_loop3A_242 = tpu.vector_load_idx %arg26[%parallel_loop3A_241] : memref<1280xf32, #tpu.memory_space<vmem>>[vector<16xi32>], vector<16xf32>,
        %parallel_loop3A_243 = arith.index_cast %parallel_loop3A_169 : i32 to index
        %parallel_loop3A_244 = arith.constant 96 : index
        %parallel_loop3A_245 = tpu.vector_load %arg28[%parallel_loop3A_243, %parallel_loop3A_244] {strides = array<i32>} : memref<80x128xf32, #tpu.memory_space<vmem>>, vector<16xf32>,
        %parallel_loop3A_246 = arith.mulf %parallel_loop3A_245, %parallel_loop3A_242 : vector<16xf32>
        %parallel_loop3A_247 = arith.index_cast %parallel_loop3A_169 : i32 to index
        %parallel_loop3A_248 = arith.constant 96 : index
        %parallel_loop3A_249 = tpu.vector_load %arg28[%parallel_loop3A_247, %parallel_loop3A_248] {strides = array<i32>} : memref<80x128xf32, #tpu.memory_space<vmem>>, vector<16xf32>,
        tpu.vector_store %arg28[%parallel_loop3A_247, %parallel_loop3A_248], %parallel_loop3A_246 {strides = array<i32>} : memref<80x128xf32, #tpu.memory_space<vmem>>, vector<16xf32>,
        %parallel_loop3A_250 = arith.index_cast %parallel_loop3A_169 : i32 to index
        %parallel_loop3A_251 = arith.constant 112 : index
        %parallel_loop3A_252 = tpu.vector_load %arg28[%parallel_loop3A_250, %parallel_loop3A_251] {strides = array<i32>} : memref<80x128xf32, #tpu.memory_space<vmem>>, vector<16xf32>,
        %parallel_loop3A_253 = arith.mulf %parallel_loop3A_252, %parallel_loop3A_242 : vector<16xf32>
        %parallel_loop3A_254 = arith.index_cast %parallel_loop3A_169 : i32 to index
        %parallel_loop3A_255 = arith.constant 112 : index
        %parallel_loop3A_256 = tpu.vector_load %arg28[%parallel_loop3A_254, %parallel_loop3A_255] {strides = array<i32>} : memref<80x128xf32, #tpu.memory_space<vmem>>, vector<16xf32>,
        tpu.vector_store %arg28[%parallel_loop3A_254, %parallel_loop3A_255], %parallel_loop3A_253 {strides = array<i32>} : memref<80x128xf32, #tpu.memory_space<vmem>>, vector<16xf32>,
      } {sc.loop_unroll_factor = 4 : i64, sc.parallel_access}
      "tpu.region"() ({
        %run_scoped3A = tpu.sem_alloc : memref<!tpu.dma_semaphore, #tpu.memory_space<semaphore_mem>>
        %dma_start3A_169 = arith.constant 0 : i32
        %dma_start3A_170 = arith.constant 0 : i32
        %dma_start3A_171 = tpu.memref_slice %arg39[%dma_start3A_169, %dma_start3A_170] : memref<10000x128xf32, #tpu.memory_space<vmem_shared>> -> memref<10000x128xf32, #tpu.memory_space<vmem_shared>>
        tpu.enqueue_indirect_dma source(%arg28 : memref<80x128xf32, #tpu.memory_space<vmem>>) target(%dma_start3A_171 : memref<10000x128xf32, #tpu.memory_space<vmem_shared>>) offsets(%arg16 : memref<80xi32, #tpu.memory_space<vmem>>) semaphore(%run_scoped3A : memref<!tpu.dma_semaphore, #tpu.memory_space<semaphore_mem>>) {add = true}
        %dma_wait3A_172 = arith.constant 0 : i32
        %dma_wait3A_173 = arith.constant 0 : i32
        %dma_wait3A_174 = tpu.memref_slice %arg39[%dma_wait3A_172, %dma_wait3A_173] : memref<10000x128xf32, #tpu.memory_space<vmem_shared>> -> memref<10000x128xf32, #tpu.memory_space<vmem_shared>>
        tpu.wait_indirect_dma semaphore(%run_scoped3A : memref<!tpu.dma_semaphore, #tpu.memory_space<semaphore_mem>>) src(%arg28 : memref<80x128xf32, #tpu.memory_space<vmem>>) dst(%dma_wait3A_174 : memref<10000x128xf32, #tpu.memory_space<vmem_shared>>)
        tpu.yield
      }) : () -> ()
    }
    %scan3A_62 = arith.constant 125 : i32
    %barrier3A_63 = arith.constant 0 : index
    tpu.barrier barrier_id(%barrier3A_63)
    %lt3A_64 = arith.constant 15 : i32
    %lt3A_65 = arith.cmpi slt, %arg1, %lt3A_64 : i32
    %convert_element_type3A_66 = arith.extui %lt3A_65 : i1 to i32
    %cond3A_67 = arith.constant 0 : i32
    %cond3A_68 = arith.cmpi ne, %convert_element_type3A_66, %cond3A_67 : i32
    scf.if %cond3A_68 {
      %mul3A_74 = arith.constant 632 : i32
      %mul3A_75 = arith.muli %arg1, %mul3A_74 : i32
      %mul3A_76 = arith.constant 10000 : i32
      %mul3A_77 = arith.muli %arg0, %mul3A_76 : i32
      %mul3A_78 = arith.constant 632 : i32
      %mul3A_79 = arith.muli %arg1, %mul3A_78 : i32
      %add3A = arith.addi %mul3A_77, %mul3A_79 : i32
      "tpu.region"() ({
        %run_scoped3A = tpu.sem_alloc : memref<!tpu.dma_semaphore, #tpu.memory_space<semaphore_mem>>
        %dma_start3A_85 = arith.constant 0 : i32
        %dma_start3A_86 = tpu.memref_slice %arg9[%add3A, %dma_start3A_85] : memref<20000x128xf32, #tpu.memory_space<hbm>> -> memref<632x128xf32, #tpu.memory_space<hbm>>
        %dma_start3A_87 = arith.constant 0 : i32
        %dma_start3A_88 = tpu.memref_slice %arg39[%mul3A_75, %dma_start3A_87] : memref<10000x128xf32, #tpu.memory_space<vmem_shared>> -> memref<632x128xf32, #tpu.memory_space<vmem_shared>>
        tpu.enqueue_dma source(%dma_start3A_88 : memref<632x128xf32, #tpu.memory_space<vmem_shared>>) target(%dma_start3A_86 : memref<632x128xf32, #tpu.memory_space<hbm>>) target_semaphore(%run_scoped3A : memref<!tpu.dma_semaphore, #tpu.memory_space<semaphore_mem>>)
        %dma_wait3A_89 = arith.constant 0 : i32
        %dma_wait3A_90 = tpu.memref_slice %arg9[%add3A, %dma_wait3A_89] : memref<20000x128xf32, #tpu.memory_space<hbm>> -> memref<632x128xf32, #tpu.memory_space<hbm>>
        %dma_wait3A_91 = arith.constant 0 : i32
        %dma_wait3A_92 = tpu.memref_slice %arg39[%mul3A_75, %dma_wait3A_91] : memref<10000x128xf32, #tpu.memory_space<vmem_shared>> -> memref<632x128xf32, #tpu.memory_space<vmem_shared>>
        tpu.wait_dma2 semaphore(%run_scoped3A : memref<!tpu.dma_semaphore, #tpu.memory_space<semaphore_mem>>) src(%dma_wait3A_92 : memref<632x128xf32, #tpu.memory_space<vmem_shared>>) dst(%dma_wait3A_90 : memref<632x128xf32, #tpu.memory_space<hbm>>)
        tpu.yield
      }) : () -> ()
      %eq3A_80 = arith.constant 0 : i32
      %eq3A_81 = arith.cmpi eq, %arg0, %eq3A_80 : i32
      %convert_element_type3A_82 = arith.extui %eq3A_81 : i1 to i32
      %cond3A_83 = arith.constant 0 : i32
      %cond3A_84 = arith.cmpi ne, %convert_element_type3A_82, %cond3A_83 : i32
      scf.if %cond3A_84 {
        %mul3A_85 = arith.constant 632 : i32
        %mul3A_86 = arith.muli %arg1, %mul3A_85 : i32
        %mul3A_87 = arith.constant 632 : i32
        %mul3A_88 = arith.muli %arg1, %mul3A_87 : i32
        "tpu.region"() ({
          %run_scoped3A = tpu.sem_alloc : memref<!tpu.dma_semaphore, #tpu.memory_space<semaphore_mem>>
          %dma_start3A_89 = arith.constant 0 : i32
          %dma_start3A_90 = tpu.memref_slice %arg10[%mul3A_88, %dma_start3A_89] : memref<10000x16xf32, #tpu.memory_space<hbm>> -> memref<632x16xf32, #tpu.memory_space<hbm>>
          %dma_start3A_91 = arith.constant 0 : i32
          %dma_start3A_92 = tpu.memref_slice %arg40[%mul3A_86, %dma_start3A_91] : memref<10000x16xf32, #tpu.memory_space<vmem_shared>> -> memref<632x16xf32, #tpu.memory_space<vmem_shared>>
          tpu.enqueue_dma source(%dma_start3A_92 : memref<632x16xf32, #tpu.memory_space<vmem_shared>>) target(%dma_start3A_90 : memref<632x16xf32, #tpu.memory_space<hbm>>) target_semaphore(%run_scoped3A : memref<!tpu.dma_semaphore, #tpu.memory_space<semaphore_mem>>)
          %dma_wait3A_93 = arith.constant 0 : i32
          %dma_wait3A_94 = tpu.memref_slice %arg10[%mul3A_88, %dma_wait3A_93] : memref<10000x16xf32, #tpu.memory_space<hbm>> -> memref<632x16xf32, #tpu.memory_space<hbm>>
          %dma_wait3A_95 = arith.constant 0 : i32
          %dma_wait3A_96 = tpu.memref_slice %arg40[%mul3A_86, %dma_wait3A_95] : memref<10000x16xf32, #tpu.memory_space<vmem_shared>> -> memref<632x16xf32, #tpu.memory_space<vmem_shared>>
          tpu.wait_dma2 semaphore(%run_scoped3A : memref<!tpu.dma_semaphore, #tpu.memory_space<semaphore_mem>>) src(%dma_wait3A_96 : memref<632x16xf32, #tpu.memory_space<vmem_shared>>) dst(%dma_wait3A_94 : memref<632x16xf32, #tpu.memory_space<hbm>>)
          tpu.yield
        }) : () -> ()
      } else {
      }
    } else {
    }
    %eq3A_69 = arith.constant 15 : i32
    %eq3A_70 = arith.cmpi eq, %arg1, %eq3A_69 : i32
    %convert_element_type3A_71 = arith.extui %eq3A_70 : i1 to i32
    %cond3A_72 = arith.constant 0 : i32
    %cond3A_73 = arith.cmpi ne, %convert_element_type3A_71, %cond3A_72 : i32
    scf.if %cond3A_73 {
      %mul3A_74 = arith.constant 10000 : i32
      %mul3A_75 = arith.muli %arg0, %mul3A_74 : i32
      %add3A = arith.constant 9480 : i32
      %add3A_76 = arith.addi %mul3A_75, %add3A : i32
      "tpu.region"() ({
        %run_scoped3A = tpu.sem_alloc : memref<!tpu.dma_semaphore, #tpu.memory_space<semaphore_mem>>
        %dma_start3A_82 = arith.constant 0 : i32
        %dma_start3A_83 = tpu.memref_slice %arg9[%add3A_76, %dma_start3A_82] : memref<20000x128xf32, #tpu.memory_space<hbm>> -> memref<520x128xf32, #tpu.memory_space<hbm>>
        %dma_start3A_84 = arith.constant 9480 : i32
        %dma_start3A_85 = arith.constant 0 : i32
        %dma_start3A_86 = tpu.memref_slice %arg39[%dma_start3A_84, %dma_start3A_85] : memref<10000x128xf32, #tpu.memory_space<vmem_shared>> -> memref<520x128xf32, #tpu.memory_space<vmem_shared>>
        tpu.enqueue_dma source(%dma_start3A_86 : memref<520x128xf32, #tpu.memory_space<vmem_shared>>) target(%dma_start3A_83 : memref<520x128xf32, #tpu.memory_space<hbm>>) target_semaphore(%run_scoped3A : memref<!tpu.dma_semaphore, #tpu.memory_space<semaphore_mem>>)
        %dma_wait3A_87 = arith.constant 0 : i32
        %dma_wait3A_88 = tpu.memref_slice %arg9[%add3A_76, %dma_wait3A_87] : memref<20000x128xf32, #tpu.memory_space<hbm>> -> memref<520x128xf32, #tpu.memory_space<hbm>>
        %dma_wait3A_89 = arith.constant 9480 : i32
        %dma_wait3A_90 = arith.constant 0 : i32
        %dma_wait3A_91 = tpu.memref_slice %arg39[%dma_wait3A_89, %dma_wait3A_90] : memref<10000x128xf32, #tpu.memory_space<vmem_shared>> -> memref<520x128xf32, #tpu.memory_space<vmem_shared>>
        tpu.wait_dma2 semaphore(%run_scoped3A : memref<!tpu.dma_semaphore, #tpu.memory_space<semaphore_mem>>) src(%dma_wait3A_91 : memref<520x128xf32, #tpu.memory_space<vmem_shared>>) dst(%dma_wait3A_88 : memref<520x128xf32, #tpu.memory_space<hbm>>)
        tpu.yield
      }) : () -> ()
      %eq3A_77 = arith.constant 0 : i32
      %eq3A_78 = arith.cmpi eq, %arg0, %eq3A_77 : i32
      %convert_element_type3A_79 = arith.extui %eq3A_78 : i1 to i32
      %cond3A_80 = arith.constant 0 : i32
      %cond3A_81 = arith.cmpi ne, %convert_element_type3A_79, %cond3A_80 : i32
      scf.if %cond3A_81 {
        "tpu.region"() ({
          %run_scoped3A = tpu.sem_alloc : memref<!tpu.dma_semaphore, #tpu.memory_space<semaphore_mem>>
          %dma_start3A_82 = arith.constant 9480 : i32
          %dma_start3A_83 = arith.constant 0 : i32
          %dma_start3A_84 = tpu.memref_slice %arg10[%dma_start3A_82, %dma_start3A_83] : memref<10000x16xf32, #tpu.memory_space<hbm>> -> memref<520x16xf32, #tpu.memory_space<hbm>>
          %dma_start3A_85 = arith.constant 9480 : i32
          %dma_start3A_86 = arith.constant 0 : i32
          %dma_start3A_87 = tpu.memref_slice %arg40[%dma_start3A_85, %dma_start3A_86] : memref<10000x16xf32, #tpu.memory_space<vmem_shared>> -> memref<520x16xf32, #tpu.memory_space<vmem_shared>>
          tpu.enqueue_dma source(%dma_start3A_87 : memref<520x16xf32, #tpu.memory_space<vmem_shared>>) target(%dma_start3A_84 : memref<520x16xf32, #tpu.memory_space<hbm>>) target_semaphore(%run_scoped3A : memref<!tpu.dma_semaphore, #tpu.memory_space<semaphore_mem>>)
          %dma_wait3A_88 = arith.constant 9480 : i32
          %dma_wait3A_89 = arith.constant 0 : i32
          %dma_wait3A_90 = tpu.memref_slice %arg10[%dma_wait3A_88, %dma_wait3A_89] : memref<10000x16xf32, #tpu.memory_space<hbm>> -> memref<520x16xf32, #tpu.memory_space<hbm>>
          %dma_wait3A_91 = arith.constant 9480 : i32
          %dma_wait3A_92 = arith.constant 0 : i32
          %dma_wait3A_93 = tpu.memref_slice %arg40[%dma_wait3A_91, %dma_wait3A_92] : memref<10000x16xf32, #tpu.memory_space<vmem_shared>> -> memref<520x16xf32, #tpu.memory_space<vmem_shared>>
          tpu.wait_dma2 semaphore(%run_scoped3A : memref<!tpu.dma_semaphore, #tpu.memory_space<semaphore_mem>>) src(%dma_wait3A_93 : memref<520x16xf32, #tpu.memory_space<vmem_shared>>) dst(%dma_wait3A_90 : memref<520x16xf32, #tpu.memory_space<hbm>>)
          tpu.yield
        }) : () -> ()
      } else {
      }
    } else {
    }
    return
  }
}

module attributes {stable_mosaic.version = 14 : i64} {
  func.func @_proj_body(%arg0: i32, %arg1: memref<400x256xf32, #tpu.memory_space<vmem>>, %arg2: memref<256x256xf32, #tpu.memory_space<vmem>>, %arg3: memref<8x32xf32, #tpu.memory_space<vmem>>, %arg4: memref<8x32xf32, #tpu.memory_space<vmem>>, %arg5: memref<400x256xf32, #tpu.memory_space<vmem>>, %arg6: memref<400x16xf32, #tpu.memory_space<vmem>>, %arg7: memref<400x16xf32, #tpu.memory_space<vmem>>) attributes {dimension_semantics = [#tpu.dimension_semantics<arbitrary>], iteration_bounds = array<i64: 25>, scalar_prefetch = 0 : i64, scratch_operands = 0 : i64, tpu.core_type = #tpu.core_type<tc>, window_params = [{transform_indices = @transform_0, window_bounds = array<i64: 400, 256>}, {pipeline_mode = #tpu.pipeline_mode<synchronous>, transform_indices = @transform_1, window_bounds = array<i64: 256, 256>}, {pipeline_mode = #tpu.pipeline_mode<synchronous>, transform_indices = @transform_2, window_bounds = array<i64: 8, 32>}, {pipeline_mode = #tpu.pipeline_mode<synchronous>, transform_indices = @transform_3, window_bounds = array<i64: 8, 32>}, {transform_indices = @transform_4, window_bounds = array<i64: 400, 256>}, {transform_indices = @transform_5, window_bounds = array<i64: 400, 16>}, {transform_indices = @transform_6, window_bounds = array<i64: 400, 16>}]} {
    %get3A = arith.constant 0 : index
    %get3A_0 = arith.constant 0 : index
    %get3A_1 = vector.load %arg1[%get3A, %get3A_0] : memref<400x256xf32, #tpu.memory_space<vmem>>, vector<400x256xf32>
    %get3A_2 = arith.constant 0 : index
    %get3A_3 = arith.constant 0 : index
    %get3A_4 = vector.load %arg2[%get3A_2, %get3A_3] : memref<256x256xf32, #tpu.memory_space<vmem>>, vector<256x256xf32>
    %dot_general3A = arith.constant dense<0.000000e+00> : vector<400x256xf32>
    %dot_general3A_5 = tpu.matmul %get3A_1, %get3A_4, %dot_general3A {dimension_numbers = #tpu.dot_dimension_numbers<[1], [0], [0], [1], [0, 0, 1, 1], [], []>, transpose_lhs_hint = false} : vector<400x256xf32>, vector<256x256xf32>, vector<400x256xf32> -> vector<400x256xf32>
    %swap3A = arith.constant 0 : index
    %swap3A_6 = arith.constant 0 : index
    %swap3A_7 = vector.load %arg5[%swap3A, %swap3A_6] : memref<400x256xf32, #tpu.memory_space<vmem>>, vector<400x256xf32>
    tpu.vector_store %arg5[%swap3A, %swap3A_6], %dot_general3A_5 {strides = array<i32>} : memref<400x256xf32, #tpu.memory_space<vmem>>, vector<400x256xf32>,
    %reshape3A = vector.shape_cast %dot_general3A_5 : vector<400x256xf32> to vector<400x8x32xf32>
    %get3A_8 = arith.constant 0 : index
    %get3A_9 = arith.constant 0 : index
    %get3A_10 = vector.load %arg3[%get3A_8, %get3A_9] : memref<8x32xf32, #tpu.memory_space<vmem>>, vector<8x32xf32>
    %broadcast_in_dim3A = vector.shape_cast %get3A_10 : vector<8x32xf32> to vector<1x8x32xf32>
    %mul3A = vector.broadcast %broadcast_in_dim3A : vector<1x8x32xf32> to vector<400x8x32xf32>
    %mul3A_11 = arith.mulf %reshape3A, %mul3A : vector<400x8x32xf32>
    %reduce_sum3A = arith.constant dense<0.000000e+00> : vector<400x8xf32>
    %reduce_sum3A_12 = vector.multi_reduction <add>, %mul3A_11, %reduce_sum3A [2] : vector<400x8x32xf32> to vector<400x8xf32>
    %get3A_13 = arith.constant 0 : index
    %get3A_14 = arith.constant 0 : index
    %get3A_15 = vector.load %arg4[%get3A_13, %get3A_14] : memref<8x32xf32, #tpu.memory_space<vmem>>, vector<8x32xf32>
    %broadcast_in_dim3A_16 = vector.shape_cast %get3A_15 : vector<8x32xf32> to vector<1x8x32xf32>
    %mul3A_17 = vector.broadcast %broadcast_in_dim3A_16 : vector<1x8x32xf32> to vector<400x8x32xf32>
    %mul3A_18 = arith.mulf %reshape3A, %mul3A_17 : vector<400x8x32xf32>
    %reduce_sum3A_19 = arith.constant dense<0.000000e+00> : vector<400x8xf32>
    %reduce_sum3A_20 = vector.multi_reduction <add>, %mul3A_18, %reduce_sum3A_19 [2] : vector<400x8x32xf32> to vector<400x8xf32>
    %broadcast_in_dim3A_21 = arith.constant 0.000000e+00 : f32
    %broadcast_in_dim3A_22 = vector.broadcast %broadcast_in_dim3A_21 : f32 to vector<400x8xf32>
    %concatenate3A = tpu.concatenate %reduce_sum3A_12, %broadcast_in_dim3A_22 in 1 : vector<400x8xf32>, vector<400x8xf32> -> vector<400x16xf32>
    %swap3A_23 = arith.constant 0 : index
    %swap3A_24 = arith.constant 0 : index
    %swap3A_25 = vector.load %arg6[%swap3A_23, %swap3A_24] : memref<400x16xf32, #tpu.memory_space<vmem>>, vector<400x16xf32>
    tpu.vector_store %arg6[%swap3A_23, %swap3A_24], %concatenate3A {strides = array<i32>} : memref<400x16xf32, #tpu.memory_space<vmem>>, vector<400x16xf32>,
    %concatenate3A_26 = tpu.concatenate %reduce_sum3A_20, %broadcast_in_dim3A_22 in 1 : vector<400x8xf32>, vector<400x8xf32> -> vector<400x16xf32>
    %swap3A_27 = arith.constant 0 : index
    %swap3A_28 = arith.constant 0 : index
    %swap3A_29 = vector.load %arg7[%swap3A_27, %swap3A_28] : memref<400x16xf32, #tpu.memory_space<vmem>>, vector<400x16xf32>
    tpu.vector_store %arg7[%swap3A_27, %swap3A_28], %concatenate3A_26 {strides = array<i32>} : memref<400x16xf32, #tpu.memory_space<vmem>>, vector<400x16xf32>,
    return
  }
  func.func @transform_0(%arg0: i32) -> (i32, i32) {
    %c0_i32 = arith.constant 0 : i32
    %c0_i32_0 = arith.constant 0 : i32
    return %arg0, %c0_i32 : i32, i32
  }
  func.func @transform_1(%arg0: i32) -> (i32, i32) {
    %c0_i32 = arith.constant 0 : i32
    %c0_i32_0 = arith.constant 0 : i32
    %c0_i32_1 = arith.constant 0 : i32
    return %c0_i32, %c0_i32_0 : i32, i32
  }
  func.func @transform_2(%arg0: i32) -> (i32, i32) {
    %c0_i32 = arith.constant 0 : i32
    %c0_i32_0 = arith.constant 0 : i32
    %c0_i32_1 = arith.constant 0 : i32
    return %c0_i32, %c0_i32_0 : i32, i32
  }
  func.func @transform_3(%arg0: i32) -> (i32, i32) {
    %c0_i32 = arith.constant 0 : i32
    %c0_i32_0 = arith.constant 0 : i32
    %c0_i32_1 = arith.constant 0 : i32
    return %c0_i32, %c0_i32_0 : i32, i32
  }
  func.func @transform_4(%arg0: i32) -> (i32, i32) {
    %c0_i32 = arith.constant 0 : i32
    %c0_i32_0 = arith.constant 0 : i32
    return %arg0, %c0_i32 : i32, i32
  }
  func.func @transform_5(%arg0: i32) -> (i32, i32) {
    %c0_i32 = arith.constant 0 : i32
    %c0_i32_0 = arith.constant 0 : i32
    return %arg0, %c0_i32 : i32, i32
  }
  func.func @transform_6(%arg0: i32) -> (i32, i32) {
    %c0_i32 = arith.constant 0 : i32
    %c0_i32_0 = arith.constant 0 : i32
    return %arg0, %c0_i32 : i32, i32
  }
}

module attributes {stable_mosaic.version = 14 : i64} {
  func.func @_epi_body(%arg0: i32, %arg1: memref<400x128xf32, #tpu.memory_space<vmem>>, %arg2: memref<400x128xf32, #tpu.memory_space<vmem>>, %arg3: memref<400x16xf32, #tpu.memory_space<vmem>>, %arg4: memref<256xf32, #tpu.memory_space<vmem>>, %arg5: memref<400x256xf32, #tpu.memory_space<vmem>>) attributes {dimension_semantics = [#tpu.dimension_semantics<arbitrary>], iteration_bounds = array<i64: 25>, scalar_prefetch = 0 : i64, scratch_operands = 0 : i64, tpu.core_type = #tpu.core_type<tc>, window_params = [{transform_indices = @transform_0, window_bounds = array<i64: 400, 128>}, {transform_indices = @transform_1, window_bounds = array<i64: 400, 128>}, {transform_indices = @transform_2, window_bounds = array<i64: 400, 16>}, {pipeline_mode = #tpu.pipeline_mode<synchronous>, transform_indices = @transform_3, window_bounds = array<i64: 256>}, {transform_indices = @transform_4, window_bounds = array<i64: 400, 256>}]} {
    %get3A = arith.constant 0 : index
    %get3A_0 = arith.constant 0 : index
    %get3A_1 = vector.load %arg1[%get3A, %get3A_0] : memref<400x128xf32, #tpu.memory_space<vmem>>, vector<400x128xf32>
    %get3A_2 = arith.constant 0 : index
    %get3A_3 = arith.constant 0 : index
    %get3A_4 = vector.load %arg2[%get3A_2, %get3A_3] : memref<400x128xf32, #tpu.memory_space<vmem>>, vector<400x128xf32>
    %concatenate3A = tpu.concatenate %get3A_1, %get3A_4 in 1 : vector<400x128xf32>, vector<400x128xf32> -> vector<400x256xf32>
    %get3A_5 = arith.constant 0 : index
    %get3A_6 = arith.constant 0 : index
    %get3A_7 = vector.load %arg3[%get3A_5, %get3A_6] : memref<400x16xf32, #tpu.memory_space<vmem>>, vector<400x16xf32>
    %slice3A = vector.extract_strided_slice %get3A_7 {offsets = [0, 0], sizes = [400, 8], strides = [1, 1]} : vector<400x16xf32> to vector<400x8xf32>
    %max3A = arith.constant 9.99999971E-10 : f32
    %max3A_8 = vector.broadcast %max3A : f32 to vector<400x8xf32>
    %max3A_9 = arith.maximumf %slice3A, %max3A_8 : vector<400x8xf32>
    %broadcast_in_dim3A = vector.shape_cast %max3A_9 : vector<400x8xf32> to vector<400x8x1xf32>
    %broadcast_in_dim3A_10 = vector.shape_cast %broadcast_in_dim3A : vector<400x8x1xf32> to vector<400x8x1xf32>
    %broadcast_in_dim3A_11 = vector.broadcast %broadcast_in_dim3A_10 : vector<400x8x1xf32> to vector<400x8x32xf32>
    %reshape3A = vector.shape_cast %broadcast_in_dim3A_11 : vector<400x8x32xf32> to vector<400x256xf32>
    %div3A = arith.divf %concatenate3A, %reshape3A : vector<400x256xf32>
    %get3A_12 = arith.constant 0 : index
    %get3A_13 = vector.load %arg4[%get3A_12] : memref<256xf32, #tpu.memory_space<vmem>>, vector<256xf32>
    %broadcast_in_dim3A_14 = vector.shape_cast %get3A_13 : vector<256xf32> to vector<1x256xf32>
    %add3A = vector.broadcast %broadcast_in_dim3A_14 : vector<1x256xf32> to vector<400x256xf32>
    %add3A_15 = arith.addf %div3A, %add3A : vector<400x256xf32>
    %swap3A = arith.constant 0 : index
    %swap3A_16 = arith.constant 0 : index
    %swap3A_17 = vector.load %arg5[%swap3A, %swap3A_16] : memref<400x256xf32, #tpu.memory_space<vmem>>, vector<400x256xf32>
    tpu.vector_store %arg5[%swap3A, %swap3A_16], %add3A_15 {strides = array<i32>} : memref<400x256xf32, #tpu.memory_space<vmem>>, vector<400x256xf32>,
    return
  }
  func.func @transform_0(%arg0: i32) -> (i32, i32) {
    %c0_i32 = arith.constant 0 : i32
    %c0_i32_0 = arith.constant 0 : i32
    return %arg0, %c0_i32 : i32, i32
  }
  func.func @transform_1(%arg0: i32) -> (i32, i32) {
    %add3A = arith.constant 25 : i32
    %add3A_0 = arith.addi %arg0, %add3A : i32
    %c0_i32 = arith.constant 0 : i32
    %c0_i32_1 = arith.constant 0 : i32
    return %add3A_0, %c0_i32 : i32, i32
  }
  func.func @transform_2(%arg0: i32) -> (i32, i32) {
    %c0_i32 = arith.constant 0 : i32
    %c0_i32_0 = arith.constant 0 : i32
    return %arg0, %c0_i32 : i32, i32
  }
  func.func @transform_3(%arg0: i32) -> i32 {
    %c0_i32 = arith.constant 0 : i32
    %c0_i32_0 = arith.constant 0 : i32
    return %c0_i32 : i32
  }
  func.func @transform_4(%arg0: i32) -> (i32, i32) {
    %c0_i32 = arith.constant 0 : i32
    %c0_i32_0 = arith.constant 0 : i32
    return %arg0, %c0_i32 : i32, i32
  }
}

</mosaic_0001>

<sc_bundles>
// kernel: kernel.5.cloned.1.call-start
scs
__scs_entry_jumppad:
0x0: {  	(pc) =	sbr.rel $0x88, $3  }
0x1: {  	(tag) =	ssettag $0x0;
	lr =	simm.s32 $0x1  }
0x2: {  	[smem:$0x3F9B] =	sst lr;
	_ =	strace $0xD0000000  }
0x3: {  	_ = 	snop  }
0x4: {  	_ = 	snop  }
0x5: {  	_ = 	snop  }
0x6: {  	_ = 	snop  }
0x7: {  	_ = 	snop  }
__scs_overlays_trampoline_lowered:
0x8: {  	[smem:$0x3FAA] =	sst s0  }
0x9: {  	[smem:$0x3FAB] =	sst s1  }
0xa: {  	[smem:$0x3FAC] =	sst s2  }
0xb: {  	[smem:$0x3FAD] =	sst s3  }
0xc: {  	[smem:$0x3FAE] =	sst s4  }
0xd: {  	[smem:$0x3FAF] =	sst s5  }
0xe: {  	[smem:$0x3FB0] =	sst s6  }
0xf: {  	[smem:$0x3FB1] =	sst s7  }
0x10: {  	[smem:$0x3FB2] =	sst s8  }
0x11: {  	[smem:$0x3FB3] =	sst s9;
	s0 =	simm.s32 @!p0 $0x0  }
0x12: {  	s1 =	sld [smem:$0x3F99];
	s0 =	simm.s32 @p0 $0x1  }
0x13: {  	[smem:$0x3FB4] =	sst s0;
	s0 =	simm.s32 @!p1 $0x0  }
0x14: {  	s2 =	sld [smem:$0x3F98];
	s0 =	simm.s32 @p1 $0x1  }
0x15: {  	[smem:$0x3FB5] =	sst s0;
	s0 =	simm.s32 @!p2 $0x0  }
0x16: {  	s3 =	sld [smem:$0x3FDB];
	s0 =	simm.s32 @p2 $0x1  }
0x17: {  	s4 =	simm.s32 $0x1BF5;
	[smem:$0x3FB7] =	sst s0  }
0x18: {  	s0 =	sld [smem:$0x3F9A];
	_ =	swait.ge [sflag:s4], $0x0  }
0x19: {  	s7 =	sld [smem:$0x3F9B]  }
0x1a: {  	s8 =	sadd.s32 $0xFFFFE003, lr  }
0x1b: {  	s9 =	sadd.s32 $0xFFFFFEF7, lr;
	s5 =	simm.s32 $0xFFFFFFFF;
	p2 =	slt.u32 s8, $0xFFFFF086  }
0x1c: {  	p1 =	slt.u32 s9, $0xF7A;
	s5 =	simm.s32 @!p2 $0x0  }
0x1d: {  	s5 =	simm.s32 @p1 $0x1;
	p0 =	seq.s32 s7, s2  }
0x1e: {  	s7 =	smul.u32 @!p0 $0xF7A, s2;
	p2 =	seq.s32 @!p0 s5, $0x0  }
0x1f: {  	s9 =	smul.u32 $0xF7A, s1;
	s8 =	simm.s32 @!p0 $0x1BF5;
	p2 =	por !p2, p0  }
0x20: {  	[sflag:s8] =	ssyncset.s32 @!p0 $0xFFFFF086;
	s6 =	sadd.s32 @!p0 s3, s7;
	s7 =	simm.s32 @!p0 $0x108  }
0x21: {  	s3 =	sadd.s32 s3, s9;
	s6 =	sadd.s32 @!p0 $0x88, s6;
	s7 =	simm.s32 @p2 $0x1082  }
0x22: {  	[simem:s7], [sflag:s8] =	dma.local @!p0 [hbm:s6], $0xF7A  }
0x23: {  	s9 =	sor.u32 $0xD0000000, s2;
	s6 =	simm.s32 $0x108;
	_ =	swait.ge @!p0 [sflag:s8], $0x0  }
0x24: {  	s3 =	sadd.s32 $0x88, s3;
	s6 =	simm.s32 @!p1 $0x1082;
	[sflag:s4] =	ssyncset.s32 $0xFFFFF086  }
0x25: {  	[simem:s6], [sflag:s4] =	dma.local [hbm:s3], $0xF7A  }
0x26: {  	[smem:$0x3F9B] =	sst s1;
	(tag) =	ssettag s2;
	_ =	strace s9  }
0x27: {  	s1 =	sld [smem:$0x3FAB]  }
0x28: {  	s2 =	sld [smem:$0x3FAC]  }
0x29: {  	s4 =	sld [smem:$0x3FAE]  }
0x2a: {  	p0 =	seq.s32 s5, $0x0;
	s5 =	sld [smem:$0x3FAF]  }
0x2b: {  	s6 =	sld [smem:$0x3FB0]  }
0x2c: {  	s7 =	sld [smem:$0x3FB1]  }
0x2d: {  	s3 =	simm.s32 $0x108;
	s8 =	sld [smem:$0x3FB2]  }
0x2e: {  	s3 =	simm.s32 @!p0 $0x1082;
	s9 =	sld [smem:$0x3FB3]  }
0x2f: {  	lr =	sadd.s32 s0, s3;
	s0 =	sld [smem:$0x3FAA]  }
0x30: {  	s3 =	sld [smem:$0x3FAD]  }
0x31: {  	[smem:$0x3FB6] =	sst s10  }
0x32: {  	s10 =	sld [smem:$0x3FB4];
	_ =	sdelay $0x3  }
0x33: {  	p0 =	seq.s32 s10, $0x1;
	s10 =	sld [smem:$0x3FB6];
	_ =	sdelay $0x3  }
0x34: {  	[smem:$0x3FB6] =	sst s10  }
0x35: {  	s10 =	sld [smem:$0x3FB5];
	_ =	sdelay $0x3  }
0x36: {  	p1 =	seq.s32 s10, $0x1;
	s10 =	sld [smem:$0x3FB6];
	_ =	sdelay $0x3  }
0x37: {  	[smem:$0x3FB6] =	sst s10  }
0x38: {  	s10 =	sld [smem:$0x3FB7]  }
0x39: {  	_ = 	snop;
	(pc) =	sbr.ind lr, $3  }
0x3a: {  	_ = 	snop  }
0x3b: {  	_ = 	snop  }
0x3c: {  	p2 =	seq.s32 s10, $0x1;
	s10 =	sld [smem:$0x3FB6]  }
0x3d: {  	_ =	shalt  }
0x3e: {  	_ =	shalt  }
0x3f: {  	_ =	shalt  }
0x40: {  	_ =	shalt  }
0x41: {  	_ =	shalt  }
0x42: {  	_ =	shalt  }
0x43: {  	_ =	shalt  }
0x44: {  	_ =	shalt  }
0x45: {  	_ =	shalt  }
0x46: {  	_ =	shalt  }
0x47: {  	_ =	shalt  }
0x48: {  	_ =	shalt  }
0x49: {  	_ =	shalt  }
0x4a: {  	_ =	shalt  }
0x4b: {  	_ =	shalt  }
0x4c: {  	_ =	shalt  }
0x4d: {  	_ =	shalt  }
0x4e: {  	_ =	shalt  }
0x4f: {  	_ =	shalt  }
0x50: {  	_ =	shalt  }
0x51: {  	_ =	shalt  }
0x52: {  	_ =	shalt  }
0x53: {  	_ =	shalt  }
0x54: {  	_ =	shalt  }
0x55: {  	_ =	shalt  }
0x56: {  	_ =	shalt  }
0x57: {  	_ =	shalt  }
0x58: {  	_ =	shalt  }
0x59: {  	_ =	shalt  }
0x5a: {  	_ =	shalt  }
0x5b: {  	_ =	shalt  }
0x5c: {  	_ =	shalt  }
0x5d: {  	_ =	shalt  }
0x5e: {  	_ =	shalt  }
0x5f: {  	_ =	shalt  }
0x60: {  	_ =	shalt  }
0x61: {  	_ =	shalt  }
0x62: {  	_ =	shalt  }
0x63: {  	_ =	shalt  }
0x64: {  	_ =	shalt  }
0x65: {  	_ =	shalt  }
0x66: {  	_ =	shalt  }
0x67: {  	_ =	shalt  }
0x68: {  	_ =	shalt  }
0x69: {  	_ =	shalt  }
0x6a: {  	_ =	shalt  }
0x6b: {  	_ =	shalt  }
0x6c: {  	_ =	shalt  }
0x6d: {  	_ =	shalt  }
0x6e: {  	_ =	shalt  }
0x6f: {  	_ =	shalt  }
0x70: {  	_ =	shalt  }
0x71: {  	_ =	shalt  }
0x72: {  	_ =	shalt  }
0x73: {  	_ =	shalt  }
0x74: {  	_ =	shalt  }
0x75: {  	_ =	shalt  }
0x76: {  	_ =	shalt  }
0x77: {  	_ =	shalt  }
0x78: {  	_ =	shalt  }
0x79: {  	_ =	shalt  }
0x7a: {  	_ =	shalt  }
0x7b: {  	_ =	shalt  }
0x7c: {  	_ =	shalt  }
0x7d: {  	_ =	shalt  }
0x7e: {  	_ =	shalt  }
0x7f: {  	_ =	shalt  }
0x80: {  	_ =	shalt  }
0x81: {  	_ =	shalt  }
0x82: {  	_ =	shalt  }
0x83: {  	_ =	shalt  }
0x84: {  	_ =	shalt  }
0x85: {  	_ =	shalt  }
0x86: {  	_ =	shalt  }
0x87: {  	_ =	shalt  }
.Lfunc_end0:
.L_simem_size_0:
called_computation_lowered:
.L_overlay_start_0:
0x88: {  	s2 =	sld [smem:$0x3FD9]  }
0x89: {  	s3 =	sld [smem:$0x3FFE];
	_ =	sdelay $0x1  }
0x8a: {  	s1 =	srdreg.scid  }
0x8b: {  	s0 =	sand.u32 $0x1, s1  }
0x8c: {  	s17 =	sshll.u32 s0, $0xA;
	s2 =	sadd.s32 s3, s2  }
0x8d: {  	s2 =	sadd.s32 s2, s17  }
0x8e: {  	[smem:$0x3FC2] =	sst s2  }
0x8f: {  	_ = 	snop  }
0x90: {  	s2 =	sld [smem:$0x3FD0];
	(tm) =	ssettm $0x1  }
0x91: {  	s18 =	sld [smem:$0x3FFB];
	_ =	sdelay $0x3  }
0x92: {  	_ =	strace s18  }
0x93: {  	s3 =	sld [smem:$0x3FFC];
	_ =	sdelay $0x3  }
0x94: {  	_ =	strace s3  }
0x95: {  	s3 =	sld [smem:$0x3FFD];
	_ =	sdelay $0x3  }
0x96: {  	_ =	strace s3  }
0x97: {  	_ =	strace $0x8FFFFFFF  }
0x98: {  	s19 =	sld [smem:$0x3FDB];
	_ =	sdelay $0x1  }
0x99: {  	s4 =	simm.s32 $_scs_section_size  }
0x9a: {  	s5 =	simm.s32 $_size__tile_overlayer_lowered;
	s6 =	simm.s32 $_tile_overlayer_lowered  }
0x9b: {  	s22 =	simm.s32 $0x1BFF;
	s21 =	sshll.u32 s6, $0x1;
	s3 =	sadd.s32 s4, s19  }
0x9c: {  	s7 =	simm.s32 $0x0;
	s20 =	sshll.u32 s5, $0x1;
	s5 =	sadd.s32 s21, s3  }
0x9d: {  	[timem:s7], [sflag:s22] =	dma.local [hbm:s5], s20  }
0x9e: {  	_ =	swait.ge [sflag:s22], s20  }
0x9f: {  	s4 =	ssub.s32 $0x0, s20;
	[sflag:s22] =	ssyncset.done $0x0  }
0xa0: {  	[sflag:s22] =	ssyncadd.s32 s4;
	_ =	sdelay $0x1  }
0xa1: {  	s23 =	simm.s32 $0x1B8B  }
0xa2: {  	_ =	swait.ge [sflag:s23], $0x1  }
0xa3: {  	[sflag:s23] =	ssyncset.done $0x0  }
0xa4: {  	s25 =	simm.s32 $0x1B8E;
	s24 =	sld [smem:$0x3FFE];
	[sflag:s23] =	ssyncadd.s32 $0xFFFFFFFF  }
0xa5: {  	s26 =	simm.s32 $execute0_lowered;
	[smem:$0x3FD2] =	sst s25  }
0xa6: {  	s5 =	sshll.u32 s26, $0x1;
	_ =	strace $0x80000046;
	[dreg:$0x1] =	wrdreg $0xFFFFFFFF  }
0xa7: {  	s28 =	simm.s32 $_size_execute0_lowered;
	s3 =	sadd.s32 s3, s5;
	[dreg:$0x0] =	wrdreg $0x0  }
0xa8: {  	s5 =	sshll.u32 s28, $0x1;
	[dreg:$0x2] =	wrdreg s3  }
0xa9: {  	[dreg:$0x3] =	wrdreg s5  }
0xaa: {  	[dreg:$0x4] =	wrdreg $0xC0  }
0xab: {  	_ =	task [dreg:s7], $0x5FFFF  }
0xac: {  	[dreg:$0x1] =	wrdreg $0xFFFFFFFF  }
0xad: {  	[dreg:$0x0] =	wrdreg $0x60  }
0xae: {  	[dreg:$0x2] =	wrdreg s24  }
0xaf: {  	[dreg:$0x3] =	wrdreg s2  }
0xb0: {  	[dreg:$0x4] =	wrdreg $0x7A800  }
0xb1: {  	[dreg:$0x5] =	wrdreg $0x1B3000  }
0xb2: {  	[dreg:$0x6] =	wrdreg $0x9  }
0xb3: {  	_ =	task.clear_ibuf [dreg:s7], $0x7FFFF;
	_ =	strace $0x90000046  }
0xb4: {  	s29 =	simm.s32 $0x9;
	_ =	strace $0x80000048  }
0xb5: {  	_ =	swait.ge [sflag:s29], $0x1  }
0xb6: {  	[sflag:s29] =	ssyncadd.s32 $0xFFFFFFFF  }
0xb7: {  	_ =	strace $0x90000048  }
0xb8: {  	_ =	sfence  }
0xb9: {  	s30 =	sld [smem:$0x0];
	_ =	sdelay $0x2  }
0xba: {  	s31 =	sshll.u32 s1, $0xD;
	s1 =	sshrl.u32 s1, $0x2  }
0xbb: {  	s3 =	sand.u32 $0x4000, s31;
	s1 =	sadd.s32 s1, s30  }
0xbc: {  	s0 =	sor.u32 s3, s0;
	s1 =	sshll.u32 s1, $0x11  }
0xbd: {  	s0 =	sor.u32 s1, s0  }
0xbe: {  	s0 =	sadd.s32 $0x8F2B, s0  }
0xbf: {  	[sflag:s0] =	ssyncadd.remote.s32 $0x1  }
0xc0: {  	_ =	sfence.sel $0xFFFF  }
0xc1: {  	[dreg:$0x0] =	wrdreg $0xFFFFFFFF;
	(pc) =	sbr.abs _section_cstart, $3  }
0xc2: {  	[dreg:$0x1] =	wrdreg $0xFFFFFFFF  }
0xc3: {  	_ =	task.clear_ibuf [dreg:s7], $0x2FFFF;
	_ =	strace $0x9FFFFFFF  }
0xc4: {  	(tm) =	ssettm $0x7FFFFFFF  }
0xc5: {  	_ =	shalt  }
tec
execute0_lowered:
.L_overlay_start_1:
0x0: {  	(tag) =	ssettag $0x1  }
0x1: {  	s0 =	rddreg [dreg:$0x0]  }
0x2: {  	s22 =	rddreg [dreg:$0x1]  }
0x3: {  	s29 =	rddreg [dreg:$0x2]  }
0x4: {  	s21 =	rddreg [dreg:$0x3];
	s1 =	simm.s32 $0x0  }
0x5: {  	s16 =	stileid.u32;
	s23 =	srdreg.scid;
	s28 =	simm.s32 $0xB  }
0x6: {  	[smem:$0x7FF] =	sst s1;
	s6 =	sadd.s32 $0x14C00, s0;
	s2 =	smul.u32 $0x2780, s16  }
0x7: {  	s7 =	sadd.s32 $0xAE00, s0;
	s8 =	sadd.s32 $0x5E00, s0;
	s5 =	smul.u32 $0x4F000, s16  }
0x8: {  	s9 =	sadd.s32 $0xE00, s0;
	s20 =	sadd.s32 $0x1EA00, s0;
	s11 =	smul.u32 $0x9E00, s16  }
0x9: {  	s3 =	sadd.s32 $0x26800, s0;
	s1 =	sand.u32 $0x1, s23;
	s13 =	smul.u32 $0x4E20, s16  }
0xa: {  	p0 =	seq.s32 s16, $0xF;
	_ =	strace $0x80000047;
	s26 =	smul.u32 $0x27100, s1  }
0xb: {  	[dreg:$0x5] =	wrdreg s20;
	s10 =	ssub.s32 $0x2, s1;
	s15 =	smul.u32 $0x138800, s1  }
0xc: {  	p1 =	sne.s32 @!p0 s1, $0x0;
	p2 =	sne.s32 @p0 s1, $0x0;
	p3 =	sne.s32 s1, $0x0  }
0xd: {  	s4 =	sshrl.u32 s2, $0x3;
	s12 =	sshrl.u32 s10, $0x1;
	s5 =	sshrl.u32 s5, $0x2  }
0xe: {  	s24 =	sshrl.u32 s11, $0x2;
	s25 =	sshrl.u32 s13, $0x3;
	s20 =	sadd.s32 $0xA0, s13  }
0xf: {  	s23 =	sadd.s32 $0xF0, s13;
	p1 =	por p1, p0;
	[dreg:$0xc] =	wrdreg s20  }
0x10: {  	p2 =	por p2, !p0;
	s5 =	sadd.s32 s5, s29;
	[dreg:$0xd] =	wrdreg s23  }
0x11: {  	s4 =	sadd.s32 s4, s0;
	s14 =	sadd.s32 s6, s25;
	[dreg:$0x6] =	wrdreg s5  }
0x12: {  	s30 =	sadd.s32 $0xA, s25;
	s11 =	sadd.s32 s7, s25;
	[dreg:$0x7] =	wrdreg s14  }
0x13: {  	s10 =	ssub.s32 s10, s12;
	[dreg:$0x8] =	wrdreg s11;
	s31 =	sadd.s32 s6, s30  }
0x14: {  	s17 =	sadd.s32 s2, s26;
	s18 =	sadd.s32 s7, s30;
	[dreg:$0x9] =	wrdreg s31  }
0x15: {  	s19 =	sshrl.u32 s15, $0x3;
	s11 =	sadd.s32 s3, s17;
	[dreg:$0xa] =	wrdreg s18  }
0x16: {  	s2 =	sadd.s32 s2, s21;
	s4 =	sadd.s32 $0x21800, s4;
	[dreg:$0xb] =	wrdreg s11  }
0x17: {  	s5 =	sadd.s32 s24, s21;
	s24 =	sadd.s32 $0x21200, s0;
	[dreg:$0xe] =	wrdreg s4  }
0x18: {  	s26 =	sshll.u32 s1, $0x2;
	s0 =	sadd.s32 $0x26210, s0;
	[dreg:$0x10] =	wrdreg s24  }
0x19: {  	s3 =	sadd.s32 s3, s19;
	s25 =	smax.u32 s10, $0x1;
	[dreg:$0x11] =	wrdreg s0  }
0x1a: {  	s30 =	sadd.s32 $0x128400, s29;
	s10 =	simm.s32 $0x2580;
	[dreg:$0x12] =	wrdreg s25  }
0x1b: {  	s3 =	sadd.s32 $0x25080, s3;
	s24 =	sor.u32 $0x33, s26;
	[dreg:$0x15] =	wrdreg s30  }
0x1c: {  	s0 =	sshrl.u32 @!p1 s5, $0x3;
	s31 =	sadd.s32 $0x25080, s21;
	[dreg:$0xf] =	wrdreg s3  }
0x1d: {  	s5 =	simm.s32 $0x50;
	s11 =	simm.s32 $0x5280;
	[dreg:$0x13] =	wrdreg s0  }
0x1e: {  	s25 =	simm.s32 $0x2080;
	s0 =	sshrl.u32 @!p1 s2, $0x3;
	[dreg:$0x16] =	wrdreg s31  }
0x1f: {  	v0 =	vmov s1;
	s3 =	simm.s32 $0x0;
	[dreg:$0x14] =	wrdreg s0;
	s0 =	simm.s32 $0xA  }
.LBB2_1:
0x20: {  	[dreg:$0x17] =	wrdreg s3  }
0x21: {  	s2 =	rddreg [dreg:$0x15]  }
0x22: {  	s3 =	rddreg [dreg:$0x5];
	s2 =	sshrl.u32 @p0 s2, $0x3  }
0x23: {  	s1 =	simm.s32 @p0 $0x1FCB;
	[dreg:$0x19] =	wrdreg s2  }
0x24: {  	[spmem:s2], [sflag:s1] =	dma.local @p0 [hbm:s3], $0x2080  }
0x25: {  	s2 =	simm.s32 @p0 $0xB  }
0x26: {  	_ =	swait.ge @p0 [sflag:s2], $0x2080  }
0x27: {  	[sflag:s2] =	ssyncset.done @p0 $0x0  }
0x28: {  	[sflag:s2] =	ssyncadd.s32 @p0 $0xFFFFDF80;
	s2 =	rddreg [dreg:$0x16]  }
0x29: {  	s4 =	rddreg [dreg:$0x10];
	s2 =	sshrl.u32 @!p2 s2, $0x3  }
0x2a: {  	[dreg:$0x1a] =	wrdreg s2  }
0x2b: {  	[spmem:s2], [sflag:s1] =	dma.local @!p2 [hbm:s4], $0x410  }
0x2c: {  	s1 =	simm.s32 @!p2 $0xB  }
0x2d: {  	_ =	swait.ge @!p2 [sflag:s1], $0x410  }
0x2e: {  	[sflag:s1] =	ssyncset.done @!p2 $0x0  }
0x2f: {  	s2 =	stileid.u32;
	[sflag:s1] =	ssyncadd.s32 @!p2 $0xFFFFFBF0;
	s1 =	rddreg [dreg:$0x6]  }
0x30: {  	s2 =	sshll.u32 @!p0 s2, $0x6;
	s1 =	sshrl.u32 @!p0 s1, $0x3  }
0x31: {  	s2 =	sor.u32 @!p0 $0x1C0B, s2;
	[dreg:$0x1b] =	wrdreg s1  }
0x32: {  	[spmem:s1], [sflag:s2] =	dma.local @!p0 [hbm:s3], $0x2780  }
0x33: {  	s1 =	simm.s32 @!p0 $0xB  }
0x34: {  	_ =	swait.ge @!p0 [sflag:s1], $0x2780  }
0x35: {  	[dreg:$0x18] =	wrdreg s2;
	[sflag:s1] =	ssyncset.done @!p0 $0x0  }
0x36: {  	[sflag:s1] =	ssyncadd.s32 @!p0 $0xFFFFD880;
	s1 =	rddreg [dreg:$0x13]  }
0x37: {  	[spmem:s1], [sflag:s2] =	dma.local @!p1 [hbm:s4], $0x4F0  }
0x38: {  	s1 =	simm.s32 @!p1 $0xB  }
0x39: {  	_ =	swait.ge @!p1 [sflag:s1], $0x4F0  }
0x3a: {  	[sflag:s1] =	ssyncset.done @!p1 $0x0  }
0x3b: {  	[sflag:s1] =	ssyncadd.s32 @!p1 $0xFFFFFB10  }
0x3c: {  	[bflag:$0x0] =	sbarrier.arrive $0xFFFF  }
0x3d: {  	s12 =	simm.s32 $0x0;
	s13 =	rddreg [dreg:$0x7]  }
0x3e: {  	[tilespmem:s12], [sflag:$0x1] =	stream.linear.gather [hbm4b:s13+s12], $0x50, $0x38;
	[tilespmem:$0x1DA10] =	vst v63  }
0x3f: {  	s15 =	simm.s32 $0xA0;
	s16 =	simm.s32 $0x1;
	s14 =	rddreg [dreg:$0x8]  }
0x40: {  	[tilespmem:s15], [sflag:$0x3] =	stream.linear.gather [hbm4b:s14+s12], $0x50, $0x38;
	[tilespmem:$0x1DA10] =	vst v63  }
0x41: {  	_ =	swait.ge [sflag:s16], $0x50  }
0x42: {  	[sflag:s16] =	ssyncset.done $0x0  }
0x43: {  	s17 =	simm.s32 $0x3;
	[sflag:s16] =	ssyncadd.s32 $0xFFFFFFB0  }
0x44: {  	_ =	swait.ge [sflag:s17], $0x50  }
0x45: {  	[sflag:s17] =	ssyncset.done $0x0  }
0x46: {  	[sflag:s17] =	ssyncadd.s32 $0xFFFFFFB0  }
0x47: {  	v1 =	vld [tilespmem:$0x0]  }
0x48: {  	v2 =	vld [tilespmem:$0x10]  }
0x49: {  	v3 =	vld [tilespmem:$0x20]  }
0x4a: {  	v4 =	vld [tilespmem:$0x30]  }
0x4b: {  	v5 =	vld [tilespmem:$0x40]  }
0x4c: {  	v1 =	vshll.u32 v1, $0x1  }
0x4d: {  	v2 =	vshll.u32 v2, $0x1;
	v1 =	vor.u32 v0, v1  }
0x4e: {  	[tilespmem:$0x1E0] =	vst v1;
	v1 =	vor.u32 v0, v2;
	v2 =	vshll.u32 v3, $0x1  }
0x4f: {  	[tilespmem:$0x1F0] =	vst v1;
	v1 =	vor.u32 v0, v2;
	v2 =	vshll.u32 v4, $0x1  }
0x50: {  	[tilespmem:$0x200] =	vst v1;
	v1 =	vor.u32 v0, v2;
	v2 =	vshll.u32 v5, $0x1  }
0x51: {  	[tilespmem:$0x210] =	vst v1;
	v1 =	vor.u32 v0, v2  }
0x52: {  	s18 =	simm.s32 $0x280;
	[tilespmem:$0x220] =	vst v1  }
0x53: {  	[tilespmem:s18], [sflag:$0x5] =	stream.indirect.gather [hbm4b:s8+s5], $0x10, s12, s5, $0xb8;
	[tilespmem:$0x1DA10] =	vst v63  }
0x54: {  	s19 =	simm.s32 $0xC80  }
0x55: {  	[tilespmem:s19], [sflag:$0x7] =	stream.indirect.gather [hbm4b:s9+s5], $0x10, s15, s5, $0xb8;
	[tilespmem:$0x1DA10] =	vst v63  }
0x56: {  	s20 =	simm.s32 $0x1E0;
	s23 =	simm.s32 $0x2A80  }
0x57: {  	[tilespmem:s23], [sflag:$0x9] =	stream.indirect.gather [hbm4b:s22+s5], $0x80, s20, s5, $0xb8;
	[tilespmem:$0x1DA10] =	vst v63  }
0x58: {  	s26 =	rddreg [dreg:$0x9]  }
0x59: {  	[tilespmem:s5], [sflag:$0x2] =	stream.linear.gather [hbm4b:s26+s12], $0x50, $0x38;
	[tilespmem:$0x1DA10] =	vst v63  }
0x5a: {  	s31 =	simm.s32 $0xF0;
	s4 =	simm.s32 $0x0;
	s30 =	rddreg [dreg:$0xa]  }
0x5b: {  	[tilespmem:s31], [sflag:$0x4] =	stream.linear.gather [hbm4b:s30+s12], $0x50, $0x38;
	[tilespmem:$0x1DA10] =	vst v63  }
.LBB2_2:
0x5c: {  	s1 =	simm.s32 $0x2  }
0x5d: {  	_ =	swait.ge [sflag:s1], $0x50  }
0x5e: {  	[sflag:s1] =	ssyncset.done $0x0  }
0x5f: {  	s16 =	simm.s32 $0x4;
	[sflag:s1] =	ssyncadd.s32 $0xFFFFFFB0  }
0x60: {  	_ =	swait.ge [sflag:s16], $0x50  }
0x61: {  	[sflag:s16] =	ssyncset.done $0x0  }
0x62: {  	[sflag:s16] =	ssyncadd.s32 $0xFFFFFFB0  }
0x63: {  	v1 =	vld [tilespmem:$0x50]  }
0x64: {  	v2 =	vld [tilespmem:$0x60]  }
0x65: {  	v3 =	vld [tilespmem:$0x70]  }
0x66: {  	v4 =	vld [tilespmem:$0x80]  }
0x67: {  	v5 =	vld [tilespmem:$0x90]  }
0x68: {  	v1 =	vshll.u32 v1, $0x1  }
0x69: {  	v2 =	vshll.u32 v2, $0x1;
	v1 =	vor.u32 v0, v1  }
0x6a: {  	[tilespmem:$0x230] =	vst v1;
	v1 =	vor.u32 v0, v2;
	v2 =	vshll.u32 v3, $0x1  }
0x6b: {  	[tilespmem:$0x240] =	vst v1;
	v1 =	vor.u32 v0, v2;
	v2 =	vshll.u32 v4, $0x1  }
0x6c: {  	[tilespmem:$0x250] =	vst v1;
	v1 =	vor.u32 v0, v2;
	v2 =	vshll.u32 v5, $0x1  }
0x6d: {  	[tilespmem:$0x260] =	vst v1;
	v1 =	vor.u32 v0, v2  }
0x6e: {  	s17 =	simm.s32 $0x780;
	[tilespmem:$0x270] =	vst v1  }
0x6f: {  	[tilespmem:s17], [sflag:$0x6] =	stream.indirect.gather [hbm4b:s8+s5], $0x10, s5, s5, $0xb8;
	[tilespmem:$0x1DA10] =	vst v63  }
0x70: {  	s18 =	simm.s32 $0xF0;
	s2 =	simm.s32 $0x1180  }
0x71: {  	[tilespmem:s2], [sflag:$0x8] =	stream.indirect.gather [hbm4b:s9+s5], $0x10, s18, s5, $0xb8;
	[tilespmem:$0x1DA10] =	vst v63  }
0x72: {  	s19 =	simm.s32 $0x230;
	s20 =	simm.s32 $0x5  }
0x73: {  	[tilespmem:s11], [sflag:$0xA] =	stream.indirect.gather [hbm4b:s22+s5], $0x80, s19, s5, $0xb8;
	[tilespmem:$0x1DA10] =	vst v63  }
0x74: {  	_ =	swait.ge [sflag:s20], $0x500  }
0x75: {  	[sflag:s20] =	ssyncset.done $0x0  }
0x76: {  	s23 =	smov.u32 s22;
	s22 =	simm.s32 $0x7;
	[sflag:s20] =	ssyncadd.s32 $0xFFFFFB00  }
0x77: {  	_ =	swait.ge [sflag:s22], $0x500  }
0x78: {  	[sflag:s22] =	ssyncset.done $0x0  }
0x79: {  	s26 =	simm.s32 $0x2C0;
	[sflag:s22] =	ssyncadd.s32 $0xFFFFFB00  }
0x7a: {  	s30 =	simm.s32 $0xCC0;
	v1 =	vld [tilespmem:s26+$0x30]  }
0x7b: {  	v2 =	vld [tilespmem:s30+$0x30]  }
0x7c: {  	v4 =	vld [tilespmem:s26+$0xFFFFFFD0]  }
0x7d: {  	v5 =	vld [tilespmem:s30+$0xFFFFFFD0]  }
0x7e: {  	v6 =	vld [tilespmem:s26+$0xFFFFFFE0]  }
0x7f: {  	v7 =	vld [tilespmem:s30+$0xFFFFFFE0]  }
0x80: {  	v3 =	vld [tilespmem:s30+$0xFFFFFFC0]  }
0x81: {  	v8 =	vld [tilespmem:s26+$0xFFFFFFF0]  }
0x82: {  	v9 =	vld [tilespmem:s26+$0x0]  }
0x83: {  	v1 =	vadd.f32 v2, v1;
	v2 =	vld [tilespmem:s30+$0xFFFFFFF0]  }
0x84: {  	v4 =	vadd.f32 v5, v4;
	v5 =	vld [tilespmem:s30+$0x0];
	v6 =	vadd.f32 v7, v6  }
0x85: {  	v11 =	vld [tilespmem:s30+$0x10];
	v10 =	vmul.f32 $2.000000030e-01, v1  }
0x86: {  	v13 =	vld [tilespmem:s26+$0x20];
	v12 =	vmul.f32 $2.000000030e-01, v6  }
0x87: {  	s2 =	simm.s32 $0xD40;
	v7 =	vld [tilespmem:s26+$0x10];
	v1 =	vmax.f32 v1, v10;
	v10 =	vmul.f32 $2.000000030e-01, v4  }
0x88: {  	v6 =	vmax.f32 v6, v12;
	v12 =	vld [tilespmem:s2+$0x30];
	v1 =	vmul.f32 $1.442695020e+00, v1;
	v2 =	vadd.f32 v2, v8  }
0x89: {  	v8 =	vld [tilespmem:s30+$0x20];
	v5 =	vadd.f32 v5, v9  }
0x8a: {  	s31 =	simm.s32 $0x340;
	(erf) = vpow2.f32 v1;
	v1 =	vmax.f32 v4, v10;
	v4 =	vld [tilespmem:s26+$0xFFFFFFC0];
	v10 =	vmul.f32 $2.000000030e-01, v2  }
0x8b: {  	v9 =	vld [tilespmem:s31+$0x30];
	v1 =	vmul.f32 $1.442695020e+00, v1  }
0x8c: {  	v6 =	vmul.f32 $1.442695020e+00, v6;
	v2 =	vmax.f32 v2, v10;
	v10 =	vmul.f32 $2.000000030e-01, v5  }
0x8d: {  	v14 =	vld [tilespmem:s31+$0xFFFFFFD0];
	(erf) = vpow2.f32 v1;
	v1 =	vadd.f32 v11, v7;
	v2 =	vmul.f32 $1.442695020e+00, v2  }
0x8e: {  	v7 =	vld [tilespmem:s2+$0xFFFFFFD0];
	v8 =	vadd.f32 v8, v13;
	v5 =	vmax.f32 v5, v10;
	(erf) = vpow2.f32 v6  }
0x8f: {  	v13 =	vld [tilespmem:s31+$0xFFFFFFF0];
	v10 =	vmul.f32 $2.000000030e-01, v1;
	v3 =	vadd.f32 v3, v4;
	v4 =	vmul.f32 $1.442695020e+00, v5  }
0x90: {  	v9 =	vadd.f32 v12, v9;
	v6 =	vld [tilespmem:s31+$0xFFFFFFE0];
	v11 =	vmul.f32 $2.000000030e-01, v8  }
0x91: {  	v5 =	vld [tilespmem:s2+$0xFFFFFFE0];
	(erf) = vpow2.f32 v2;
	v2 =	vmax.f32 v1, v10;
	v10 =	vmul.f32 $2.000000030e-01, v3  }
0x92: {  	v12 =	vld [tilespmem:s2+$0xFFFFFFF0];
	v8 =	vmax.f32 v8, v11;
	(erf) = vpow2.f32 v4;
	v2 =	vmul.f32 $1.442695020e+00, v2  }
0x93: {  	s3 =	simm.s32 $0x16C0;
	v15 =	vld [tilespmem:s31+$0x0];
	v11 =	vmul.f32 $2.000000030e-01, v9;
	v8 =	vmul.f32 $1.442695020e+00, v8;
	v4 =	vpop (erf)  }
0x94: {  	s11 =	simm.s32 $0x20C0;
	v16 =	vld [tilespmem:s2+$0x0];
	v14 =	vadd.f32 v7, v14;
	[tilespmem:s3+$0x30] =	vst v4;
	(erf) = vpow2.f32 v2  }
0x95: {  	v1 =	vld [tilespmem:s2+$0xFFFFFFC0];
	v3 =	vmax.f32 v3, v10;
	[tilespmem:s11+$0x30] =	vst v4;
	v4 =	vmax.f32 v9, v11;
	(erf) = vpow2.f32 v8  }
0x96: {  	v3 =	vmul.f32 $1.442695020e+00, v3;
	v6 =	vadd.f32 v5, v6;
	v2 =	vld [tilespmem:s31+$0x10];
	v5 =	vpop (erf);
	v9 =	vmul.f32 $1.442695020e+00, v4  }
0x97: {  	v7 =	vadd.f32 v12, v13;
	v8 =	vmul.f32 $2.000000030e-01, v14;
	v4 =	vld [tilespmem:s2+$0x10];
	[tilespmem:s3+$0xFFFFFFD0] =	vst v5  }
0x98: {  	(erf) = vpow2.f32 v3;
	v12 =	vmul.f32 $2.000000030e-01, v6;
	v3 =	vld [tilespmem:s31+$0x20];
	v13 =	vpop (erf);
	[tilespmem:s11+$0xFFFFFFD0] =	vst v5  }
0x99: {  	s15 =	simm.s32 $0x8;
	v10 =	vmul.f32 $2.000000030e-01, v7;
	(erf) = vpow2.f32 v9;
	v5 =	vld [tilespmem:s2+$0x20];
	[tilespmem:s3+$0xFFFFFFE0] =	vst v13  }
0x9a: {  	s12 =	simm.s32 $0x16C0;
	s14 =	simm.s32 $0x20C0;
	s1 =	simm.s32 $0x3C0;
	v11 =	vmax.f32 v14, v8;
	v8 =	vadd.f32 v16, v15;
	v12 =	vmax.f32 v6, v12;
	v6 =	vld [tilespmem:s31+$0xFFFFFFC0];
	[tilespmem:s11+$0xFFFFFFE0] =	vst v13;
	v9 =	vpop (erf)  }
.LBB2_3:
0x9b: {  	v13 =	vld [tilespmem:s1+$0x30];
	v11 =	vmul.f32 $1.442695020e+00, v11;
	v12 =	vmul.f32 $1.442695020e+00, v12;
	s2 =	sadd.s32 $0x80, s2;
	[tilespmem:s3+$0xFFFFFFF0] =	vst v9;
	v14 =	vpop (erf)  }
0x9c: {  	v15 =	vld [tilespmem:s2+$0x30];
	v7 =	vmax.f32 v7, v10;
	v10 =	vmul.f32 $2.000000030e-01, v8;
	v2 =	vadd.f32 v4, v2;
	[tilespmem:s11+$0xFFFFFFF0] =	vst v9  }
0x9d: {  	s15 =	sadd.s32 $0x8, s15;
	v4 =	vld [tilespmem:s2+$0xFFFFFFC0];
	v16 =	vmul.f32 $1.442695020e+00, v7;
	(erf) = vpow2.f32 v11;
	[tilespmem:s3+$0x0] =	vst v14;
	v9 =	vpop (erf)  }
0x9e: {  	p4 =	slt.u32 s15, $0x48;
	v11 =	vld [tilespmem:s1+$0xFFFFFFD0];
	v8 =	vmax.f32 v8, v10;
	v10 =	vmul.f32 $2.000000030e-01, v2;
	v3 =	vadd.f32 v5, v3;
	[tilespmem:s11+$0x0] =	vst v14;
	v5 =	vpop (erf)  }
0x9f: {  	v14 =	vld [tilespmem:s2+$0xFFFFFFD0];
	v6 =	vadd.f32 v1, v6  }
0xa0: {  	v17 =	vmul.f32 $1.442695020e+00, v8;
	(erf) = vpow2.f32 v12;
	[tilespmem:s3+$0x10] =	vst v9;
	v2 =	vmax.f32 v2, v10  }
0xa1: {  	v8 =	vld [tilespmem:s1+$0xFFFFFFE0];
	v10 =	vmul.f32 $2.000000030e-01, v3;
	(erf) = vpow2.f32 v16;
	[tilespmem:s11+$0x10] =	vst v9;
	v7 =	vpop (erf);
	v12 =	vadd.f32 v15, v13  }
0xa2: {  	s3 =	sadd.s32 $0x80, s3;
	v9 =	vld [tilespmem:s2+$0xFFFFFFE0];
	v13 =	vmul.f32 $2.000000030e-01, v6;
	v2 =	vmul.f32 $1.442695020e+00, v2;
	v15 =	vpop (erf);
	[tilespmem:s12+$0xFFFFFFC0] =	vst v7  }
0xa3: {  	s11 =	sadd.s32 $0x80, s11;
	v16 =	vld [tilespmem:s1+$0xFFFFFFF0];
	v3 =	vmax.f32 v3, v10;
	[tilespmem:s3+$0x30] =	vst v15;
	(erf) = vpow2.f32 v17;
	v1 =	vmovc v4;
	v4 =	vmul.f32 $2.000000030e-01, v12  }
0xa4: {  	v10 =	vld [tilespmem:s2+$0xFFFFFFF0];
	v6 =	vmax.f32 v6, v13;
	v3 =	vmul.f32 $1.442695020e+00, v3;
	[tilespmem:s11+$0x30] =	vst v15;
	v11 =	vadd.f32 v14, v11  }
0xa5: {  	v13 =	vld [tilespmem:s1+$0x0];
	v6 =	vmul.f32 $1.442695020e+00, v6;
	(erf) = vpow2.f32 v2;
	[tilespmem:s14+$0xFFFFFFC0] =	vst v7  }
0xa6: {  	v14 =	vld [tilespmem:s2+$0x0];
	v4 =	vmax.f32 v12, v4;
	(erf) = vpow2.f32 v3;
	[tilespmem:s12+$0x20] =	vst v5;
	s12 =	smov.u32 s3;
	v12 =	vmul.f32 $2.000000030e-01, v11  }
.Ltmp0:
0xa7: {  	v8 =	vadd.f32 v9, v8;
	v2 =	vld [tilespmem:s1+$0x10];
	v18 =	vmul.f32 $1.442695020e+00, v4;
	v15 =	vpop (erf);
	[tilespmem:s14+$0x20] =	vst v5;
	(pc) =	sbr.rel @p4 .LBB2_3-.Ltmp0, $4  }
0xa8: {  	s14 =	smov.u32 s11;
	v4 =	vld [tilespmem:s2+$0x10];
	[tilespmem:s3+$0xFFFFFFD0] =	vst v15;
	(erf) = vpow2.f32 v6  }
0xa9: {  	v17 =	vmul.f32 $2.000000030e-01, v8;
	v7 =	vadd.f32 v10, v16;
	v3 =	vld [tilespmem:s1+$0x20];
	(erf) = vpow2.f32 v18;
	[tilespmem:s11+$0xFFFFFFD0] =	vst v15;
	v15 =	vpop (erf)  }
0xaa: {  	v11 =	vmax.f32 v11, v12;
	v5 =	vld [tilespmem:s2+$0x20];
	[tilespmem:s3+$0xFFFFFFE0] =	vst v15;
	v9 =	vpop (erf)  }
0xab: {  	v6 =	vld [tilespmem:s1+$0xFFFFFFC0];
	v12 =	vmax.f32 v8, v17;
	v10 =	vmul.f32 $2.000000030e-01, v7;
	v8 =	vadd.f32 v14, v13;
	s1 =	sadd.s32 $0x80, s1;
	[tilespmem:s11+$0xFFFFFFE0] =	vst v15  }
0xac: {  	_ = 	snop  }
0xad: {  	v11 =	vmul.f32 $1.442695020e+00, v11;
	[tilespmem:s3+$0xFFFFFFF0] =	vst v9;
	v7 =	vmax.f32 v7, v10  }
0xae: {  	v13 =	vpop (erf);
	[tilespmem:s11+$0xFFFFFFF0] =	vst v9;
	v9 =	vmul.f32 $2.000000030e-01, v8  }
0xaf: {  	v12 =	vmul.f32 $1.442695020e+00, v12;
	[tilespmem:s3+$0x0] =	vst v13;
	v2 =	vadd.f32 v4, v2;
	(erf) = vpow2.f32 v11  }
0xb0: {  	v4 =	vmul.f32 $1.442695020e+00, v7;
	[tilespmem:s11+$0x0] =	vst v13;
	v8 =	vmax.f32 v8, v9;
	v3 =	vadd.f32 v5, v3;
	v7 =	vpop (erf)  }
0xb1: {  	v9 =	vmul.f32 $2.000000030e-01, v2;
	v1 =	vadd.f32 v1, v6;
	v5 =	vpop (erf);
	(erf) = vpow2.f32 v12;
	[tilespmem:s3+$0x10] =	vst v7  }
0xb2: {  	v6 =	vmul.f32 $1.442695020e+00, v8;
	[tilespmem:s11+$0x10] =	vst v7  }
0xb3: {  	v2 =	vmax.f32 v2, v9;
	v7 =	vpop (erf);
	(erf) = vpow2.f32 v4;
	v9 =	vmul.f32 $2.000000030e-01, v1;
	[tilespmem:s12+$0x20] =	vst v5  }
0xb4: {  	v8 =	vmul.f32 $2.000000030e-01, v3;
	v2 =	vmul.f32 $1.442695020e+00, v2;
	[tilespmem:s12+$0xFFFFFFC0] =	vst v7  }
0xb5: {  	s1 =	sadd.s32 $0x80, s3;
	v4 =	vpop (erf);
	(erf) = vpow2.f32 v6;
	[tilespmem:s14+$0x20] =	vst v5;
	v1 =	vmax.f32 v1, v9  }
0xb6: {  	v3 =	vmax.f32 v3, v8;
	[tilespmem:s1+$0x30] =	vst v4;
	v1 =	vmul.f32 $1.442695020e+00, v1  }
0xb7: {  	s2 =	sadd.s32 $0x80, s11;
	v3 =	vmul.f32 $1.442695020e+00, v3;
	[tilespmem:s14+$0xFFFFFFC0] =	vst v7;
	(erf) = vpow2.f32 v2  }
0xb8: {  	[tilespmem:s2+$0x30] =	vst v4;
	v2 =	vpop (erf)  }
0xb9: {  	(erf) = vpow2.f32 v3;
	[tilespmem:s1+$0xFFFFFFD0] =	vst v2  }
0xba: {  	(erf) = vpow2.f32 v1;
	[tilespmem:s2+$0xFFFFFFD0] =	vst v2;
	v1 =	vpop (erf)  }
0xbb: {  	[tilespmem:s1+$0xFFFFFFE0] =	vst v1  }
0xbc: {  	v2 =	vpop (erf);
	[tilespmem:s2+$0xFFFFFFE0] =	vst v1  }
0xbd: {  	[tilespmem:s1+$0xFFFFFFF0] =	vst v2  }
0xbe: {  	v1 =	vpop (erf);
	[tilespmem:s2+$0xFFFFFFF0] =	vst v2  }
0xbf: {  	[tilespmem:s1+$0x0] =	vst v1  }
0xc0: {  	v2 =	vpop (erf);
	[tilespmem:s2+$0x0] =	vst v1  }
0xc1: {  	[tilespmem:s1+$0x10] =	vst v2  }
0xc2: {  	v1 =	vpop (erf);
	[tilespmem:s2+$0x10] =	vst v2  }
0xc3: {  	v2 =	vpop (erf);
	[tilespmem:s1+$0x20] =	vst v1  }
0xc4: {  	[tilespmem:s1+$0xFFFFFFC0] =	vst v2  }
0xc5: {  	[tilespmem:s2+$0x20] =	vst v1  }
0xc6: {  	[tilespmem:s2+$0xFFFFFFC0] =	vst v2  }
0xc7: {  	v1 =	vld [tilespmem:$0xA0]  }
0xc8: {  	v2 =	vld [tilespmem:$0xB0]  }
0xc9: {  	v3 =	vld [tilespmem:$0xC0]  }
0xca: {  	v4 =	vld [tilespmem:$0xD0]  }
0xcb: {  	v5 =	vld [tilespmem:$0xE0]  }
0xcc: {  	[tilespmem:$0x140] =	vst v1  }
0xcd: {  	[tilespmem:$0x150] =	vst v2  }
0xce: {  	[tilespmem:$0x160] =	vst v3  }
0xcf: {  	[tilespmem:$0x170] =	vst v4  }
0xd0: {  	s3 =	simm.s32 @!p3 $0x1680;
	s1 =	simm.s32 @!p3 $0x50;
	s2 =	simm.s32 @!p3 $0x140;
	[tilespmem:$0x180] =	vst v5  }
0xd1: {  	[spmem:s21] =	stream.indirect.scatter.add.f32 @!p3 [tilespmem:s3], [sflag:$0xB], $0x10, s2, s1, $0xb8;
	[tilespmem:$0x1DA10] =	vst v63  }
0xd2: {  	s1 =	simm.s32 @!p3 $0xB  }
0xd3: {  	_ =	swait.ge @!p3 [sflag:s1], $0x500  }
0xd4: {  	s31 =	smov.u32 s21;
	p4 =	seq.s32 s4, $0x7C;
	[sflag:s1] =	ssyncset.done @!p3 $0x0  }
0xd5: {  	s20 =	sadd.s32 $0xFFFFFFFD, s24;
	s21 =	simm.s32 $0x9;
	[sflag:s1] =	ssyncadd.s32 @!p3 $0xFFFFFB00  }
0xd6: {  	s15 =	smul.u32 @!p4 $0xA0, s4;
	v1 =	vmov s20;
	_ =	swait.ge [sflag:s21], $0x2800  }
0xd7: {  	v1 =	vand.u32 $0xFFFFFFFC, v1;
	s1 =	rddreg [dreg:$0xc]  }
0xd8: {  	s22 =	sadd.s32 $0xFFFFFFCD, s24;
	s26 =	sadd.s32 $0xFFFFFFDD, s24;
	v3 =	vbroadcast v1, $0x0;
	s1 =	sadd.s32 @!p4 s15, s1  }
0xd9: {  	s30 =	sadd.s32 $0xFFFFFFED, s24;
	v1 =	vmov s22;
	[sflag:s21] =	ssyncset.done $0x0;
	s1 =	sshrl.u32 @!p4 s1, $0x3  }
0xda: {  	s11 =	simm.s32 @!p4 $0x0;
	v2 =	vmov s26;
	v1 =	vand.u32 $0xFFFFFFFC, v1;
	[sflag:s21] =	ssyncadd.s32 $0xFFFFD800;
	s2 =	sadd.s32 @!p4 s6, s1  }
0xdb: {  	v5 =	vmov s30;
	v2 =	vand.u32 $0xFFFFFFFC, v2;
	v4 =	vbroadcast v1, $0x0;
	[tilespmem:s11], [sflag:$0x1] =	stream.linear.gather @!p4 [hbm4b:s2+s11], $0x50, $0x38;
	[tilespmem:$0x1DA10] =	vst v63  }
0xdc: {  	v1 =	vand.u32 $0xFFFFFFFC, v5;
	v5 =	vbroadcast v2, $0x0;
	[tilespmem:$0x1FFD0] =	vst v3;
	s1 =	sadd.s32 @!p4 s7, s1;
	s2 =	simm.s32 @!p4 $0xA0  }
0xdd: {  	v6 =	vbroadcast v1, $0x0;
	[tilespmem:s2], [sflag:$0x3] =	stream.linear.gather @!p4 [hbm4b:s1+s11], $0x50, $0x38;
	[tilespmem:$0x1DA10] =	vst v63  }
0xde: {  	s21 =	simm.s32 $0x2B80;
	v1 =	vld.idx.msk [tilespmem:v3+s25+$0x0], $0xffff  }
0xdf: {  	v2 =	vld [tilespmem:s21+$0x80]  }
0xe0: {  	v8 =	vld [tilespmem:s21+$0x90];
	[tilespmem:$0x1FFE0] =	vst v4  }
0xe1: {  	v10 =	vld.idx.msk [tilespmem:v4+s25+$0x0], $0xffff;
	[tilespmem:$0x1FFF0] =	vst v5  }
0xe2: {  	v11 =	vld.idx.msk [tilespmem:v5+s25+$0x0], $0xffff  }
0xe3: {  	v12 =	vld.idx.msk [tilespmem:v6+s25+$0x0], $0xffff  }
0xe4: {  	v13 =	vld [tilespmem:s21+$0xFFFFFF00]  }
0xe5: {  	v14 =	vld [tilespmem:s21+$0xFFFFFF10]  }
0xe6: {  	s3 =	sadd.s32 $0xFFFFFFFE, s24;
	v15 =	vld [tilespmem:s21+$0xFFFFFF80]  }
0xe7: {  	v7 =	vmov s3;
	v16 =	vld [tilespmem:s21+$0xFFFFFF90]  }
0xe8: {  	v7 =	vand.u32 $0xFFFFFFFD, v7;
	v19 =	vld [tilespmem:s21+$0xFFFFFFA0]  }
0xe9: {  	v7 =	vbroadcast v7, $0x0;
	v20 =	vld [tilespmem:s21+$0xD0]  }
0xea: {  	v22 =	vld [tilespmem:s21+$0x20]  }
0xeb: {  	s11 =	sadd.s32 $0xFFFFFFCE, s24;
	v28 =	vld [tilespmem:s21+$0xFFFFFFD0];
	v2 =	vmul.f32 v2, v1  }
0xec: {  	v9 =	vmov s11;
	v29 =	vld [tilespmem:s21+$0x40];
	v1 =	vmul.f32 v8, v1  }
0xed: {  	s12 =	sadd.s32 $0xFFFFFFDE, s24;
	v30 =	vld [tilespmem:s21+$0x50];
	v8 =	vand.u32 $0xFFFFFFFD, v9;
	[tilespmem:s21+$0x80] =	vst v2  }
0xee: {  	v35 =	vld [tilespmem:s21+$0xFFFFFF60];
	v8 =	vbroadcast v8, $0x0;
	v2 =	vmov s12;
	[tilespmem:s21+$0x90] =	vst v1  }
0xef: {  	v1 =	vand.u32 $0xFFFFFFFD, v2;
	v2 =	vld.idx.msk [tilespmem:v7+s25+$0x0], $0xffff  }
0xf0: {  	s13 =	sadd.s32 $0xFFFFFFFF, s24;
	v9 =	vbroadcast v1, $0x0;
	v1 =	vmul.f32 v13, v10;
	v13 =	vld [tilespmem:s21+$0xA0]  }
0xf1: {  	v17 =	vmov s13;
	v10 =	vmul.f32 v14, v10;
	v14 =	vld [tilespmem:s21+$0xB0]  }
0xf2: {  	v17 =	vand.u32 $0xFFFFFFFE, v17;
	[tilespmem:s21+$0xFFFFFF00] =	vst v1;
	v1 =	vmul.f32 v15, v11;
	v15 =	vld [tilespmem:s21+$0x0]  }
0xf3: {  	s14 =	sadd.s32 $0xFFFFFFEE, s24;
	[tilespmem:s21+$0xFFFFFF10] =	vst v10;
	v11 =	vmul.f32 v16, v11;
	v16 =	vld [tilespmem:s21+$0x10];
	v10 =	vbroadcast v17, $0x0  }
0xf4: {  	v17 =	vmov s14;
	v18 =	vld.idx.msk [tilespmem:v8+s25+$0x0], $0xffff  }
0xf5: {  	[tilespmem:s21+$0xFFFFFF80] =	vst v1;
	v1 =	vand.u32 $0xFFFFFFFD, v17;
	v17 =	vld [tilespmem:s21+$0xFFFFFF20];
	v13 =	vmul.f32 v13, v2  }
0xf6: {  	[tilespmem:s21+$0xFFFFFF90] =	vst v11;
	v2 =	vmul.f32 v14, v2;
	v14 =	vld [tilespmem:s21+$0xFFFFFF30]  }
0xf7: {  	s16 =	sadd.s32 $0xFFFFFFCF, s24;
	v36 =	vld [tilespmem:s21+$0xFFFFFF70];
	[tilespmem:s21+$0xA0] =	vst v13  }
0xf8: {  	v11 =	vbroadcast v1, $0x0;
	v1 =	vld.idx.msk [tilespmem:v9+s25+$0x0], $0xffff;
	v13 =	vmov s16;
	v15 =	vmul.f32 v15, v12;
	[tilespmem:s21+$0xB0] =	vst v2  }
0xf9: {  	v2 =	vand.u32 $0xFFFFFFFE, v13;
	v13 =	vmul.f32 v16, v12;
	v16 =	vld.idx.msk [tilespmem:v10+s25+$0x0], $0xffff  }
0xfa: {  	s17 =	sadd.s32 $0xFFFFFFDF, s24;
	v12 =	vbroadcast v2, $0x0;
	[tilespmem:s21+$0x0] =	vst v15;
	v2 =	vld [tilespmem:s21+$0xC0]  }
0xfb: {  	v15 =	vmov s17;
	[tilespmem:s21+$0x10] =	vst v13;
	v13 =	vmul.f32 v17, v18;
	v14 =	vmul.f32 v14, v18;
	v18 =	vld [tilespmem:s21+$0xFFFFFFB0]  }
0xfc: {  	v31 =	vld [tilespmem:s21+$0xFFFFFFE0];
	v21 =	vand.u32 $0xFFFFFFFE, v15  }
0xfd: {  	v32 =	vld [tilespmem:s21+$0xFFFFFFF0];
	[tilespmem:s21+$0xFFFFFF20] =	vst v13;
	v13 =	vbroadcast v21, $0x0  }
0xfe: {  	v17 =	vld.idx.msk [tilespmem:v11+s25+$0x0], $0xffff  }
0xff: {  	s18 =	sadd.s32 $0xFFFFFFEF, s24;
	v19 =	vmul.f32 v19, v1;
	v21 =	vld [tilespmem:s21+$0x30];
	v2 =	vmul.f32 v2, v16  }
0x100: {  	v23 =	vmov s18;
	[tilespmem:s21+$0xFFFFFF30] =	vst v14;
	v16 =	vmul.f32 v20, v16;
	v20 =	vld [tilespmem:s21+$0xFFFFFF40];
	v18 =	vmul.f32 v18, v1  }
0x101: {  	v14 =	vand.u32 $0xFFFFFFFE, v23;
	[tilespmem:s21+$0xFFFFFFA0] =	vst v19;
	v23 =	vld.idx.msk [tilespmem:v12+s25+$0x0], $0xffff  }
0x102: {  	v15 =	vmov s24;
	v19 =	vld [tilespmem:s21+$0xFFFFFFC0];
	[tilespmem:s21+$0xFFFFFFB0] =	vst v18  }
0x103: {  	v26 =	vld.idx.msk [tilespmem:v13+s25+$0x0], $0xffff  }
0x104: {  	v33 =	vld [tilespmem:s21+$0x60];
	[tilespmem:s21+$0xD0] =	vst v16;
	v16 =	vmul.f32 v22, v17;
	v17 =	vmul.f32 v21, v17  }
0x105: {  	s11 =	simm.s32 $0x2D80;
	v38 =	vld [tilespmem:s21+$0xE0];
	[tilespmem:s21+$0xC0] =	vst v2  }
0x106: {  	v24 =	vld [tilespmem:s11+$0x90];
	s14 =	sadd.s32 $0x40, s24;
	[tilespmem:s21+$0x30] =	vst v17;
	v17 =	vmul.f32 v20, v23  }
0x107: {  	s20 =	sadd.s32 $0xFFFFFFFD, s14;
	v1 =	vld.idx.msk [tilespmem:v15+s25+$0x0], $0xffff  }
0x108: {  	v18 =	vld [tilespmem:s21+$0xF0];
	[tilespmem:s21+$0xFFFFFF40] =	vst v17;
	v17 =	vmul.f32 v19, v26;
	v19 =	vmov s20  }
0x109: {  	v40 =	vld [tilespmem:s11+$0xFFFFFF00];
	v19 =	vand.u32 $0xFFFFFFFC, v19  }
0x10a: {  	v2 =	vld [tilespmem:s21+$0xFFFFFF50];
	[tilespmem:s21+$0xFFFFFFC0] =	vst v17;
	v17 =	vbroadcast v19, $0x0  }
0x10b: {  	v42 =	vld [tilespmem:s11+$0xFFFFFF10];
	s22 =	sadd.s32 $0xFFFFFFCD, s14  }
0x10c: {  	v57 =	vld [tilespmem:s11+$0xFFFFFF80];
	s26 =	sadd.s32 $0xFFFFFFDD, s14;
	v14 =	vbroadcast v14, $0x0;
	v19 =	vmov s22  }
0x10d: {  	v43 =	vld [tilespmem:s11+$0xFFFFFF90];
	v20 =	vmul.f32 v18, v1;
	v18 =	vmov s26;
	v19 =	vand.u32 $0xFFFFFFFC, v19  }
0x10e: {  	v58 =	vld [tilespmem:s11+$0xA0];
	v22 =	vand.u32 $0xFFFFFFFC, v18;
	v18 =	vbroadcast v19, $0x0  }
0x10f: {  	s30 =	sadd.s32 $0xFFFFFFED, s14;
	v2 =	vmul.f32 v2, v23;
	v23 =	vld [tilespmem:s11+$0x80]  }
0x110: {  	s3 =	sadd.s32 $0xFFFFFFFE, s14;
	v21 =	vmov s30;
	v19 =	vbroadcast v22, $0x0;
	v22 =	vld.idx.msk [tilespmem:v17+s25+$0x0], $0xffff  }
0x111: {  	v59 =	vld [tilespmem:s11+$0xB0];
	[tilespmem:s21+$0xF0] =	vst v20;
	v20 =	vand.u32 $0xFFFFFFFC, v21;
	v21 =	vmov s3  }
0x112: {  	v60 =	vld [tilespmem:s11+$0x0];
	[tilespmem:s21+$0x20] =	vst v16;
	v21 =	vand.u32 $0xFFFFFFFD, v21  }
0x113: {  	v27 =	vld.idx.msk [tilespmem:v14+s25+$0x0], $0xffff;
	v21 =	vbroadcast v21, $0x0  }
0x114: {  	s12 =	sadd.s32 $0xFFFFFFCE, s14;
	v25 =	vld.idx.msk [tilespmem:v18+s25+$0x0], $0xffff  }
0x115: {  	v61 =	vld [tilespmem:s11+$0x10];
	v41 =	vmov s12;
	v20 =	vbroadcast v20, $0x0;
	v23 =	vmul.f32 v23, v22  }
0x116: {  	v63 =	vld [tilespmem:s11+$0xFFFFFF20];
	[tilespmem:s21+$0xFFFFFF50] =	vst v2;
	v24 =	vmul.f32 v24, v22;
	v22 =	vand.u32 $0xFFFFFFFD, v41  }
0x117: {  	v26 =	vmul.f32 v28, v26;
	v37 =	vld.idx.msk [tilespmem:v19+s25+$0x0], $0xffff;
	v22 =	vbroadcast v22, $0x0;
	[tilespmem:s11+$0x80] =	vst v23  }
0x118: {  	v50 =	vld [tilespmem:s11+$0xFFFFFFA0];
	s13 =	sadd.s32 $0xFFFFFFDE, s14;
	s16 =	sadd.s32 $0xFFFFFFFF, s14;
	v29 =	vmul.f32 v29, v27;
	[tilespmem:s11+$0x90] =	vst v24  }
0x119: {  	s19 =	sadd.s32 $0xFFFFFFD0, s24;
	v45 =	vmov s16;
	[tilespmem:s21+$0xFFFFFFD0] =	vst v26;
	v23 =	vmov s13;
	v24 =	vmul.f32 v40, v25;
	v44 =	vld.idx.msk [tilespmem:v21+s25+$0x0], $0xffff  }
0x11a: {  	v51 =	vld [tilespmem:s11+$0xC0];
	v16 =	vmov s19;
	[tilespmem:s21+$0x40] =	vst v29;
	v25 =	vmul.f32 v42, v25;
	v23 =	vand.u32 $0xFFFFFFFD, v23  }
0x11b: {  	v45 =	vand.u32 $0xFFFFFFFE, v45;
	v27 =	vmul.f32 v30, v27;
	v39 =	vld.idx.msk [tilespmem:v20+s25+$0x0], $0xffff;
	v23 =	vbroadcast v23, $0x0;
	[tilespmem:s11+$0xFFFFFF00] =	vst v24  }
0x11c: {  	v53 =	vld [tilespmem:s11+$0xFFFFFFB0];
	s17 =	sadd.s32 $0xFFFFFFEE, s14;
	v24 =	vmul.f32 v57, v37;
	[tilespmem:s11+$0xFFFFFF10] =	vst v25;
	v25 =	vbroadcast v45, $0x0  }
0x11d: {  	s18 =	sadd.s32 $0xFFFFFFCF, s14;
	v62 =	vmov s17;
	[tilespmem:s21+$0x50] =	vst v27;
	v37 =	vmul.f32 v43, v37;
	v46 =	vld.idx.msk [tilespmem:v22+s25+$0x0], $0xffff  }
0x11e: {  	v49 =	vmov s18;
	v28 =	vld [tilespmem:s11+$0xFFFFFF30];
	[tilespmem:s11+$0xFFFFFF80] =	vst v24;
	v24 =	vand.u32 $0xFFFFFFFD, v62;
	v47 =	vmul.f32 v58, v44  }
0x11f: {  	v2 =	vld.idx.msk [tilespmem:v16+s25+$0x0], $0xffff;
	[tilespmem:s11+$0xFFFFFF90] =	vst v37;
	v37 =	vand.u32 $0xFFFFFFFE, v49;
	v24 =	vbroadcast v24, $0x0;
	v42 =	vmul.f32 v59, v44  }
0x120: {  	v54 =	vld [tilespmem:s11+$0x20];
	v41 =	vmul.f32 v60, v39;
	v26 =	vbroadcast v37, $0x0;
	[tilespmem:s11+$0xA0] =	vst v47  }
0x121: {  	v39 =	vmul.f32 v61, v39;
	v48 =	vld.idx.msk [tilespmem:v23+s25+$0x0], $0xffff;
	[tilespmem:s11+$0xB0] =	vst v42  }
0x122: {  	[tilespmem:s11+$0x0] =	vst v41;
	v42 =	vld.idx.msk [tilespmem:v25+s25+$0x0], $0xffff;
	v29 =	vmul.f32 v63, v46  }
0x123: {  	v30 =	vld [tilespmem:s11+$0xD0];
	[tilespmem:s11+$0x10] =	vst v39;
	v28 =	vmul.f32 v28, v46  }
0x124: {  	s19 =	sadd.s32 $0xFFFFFFDF, s14;
	v35 =	vmul.f32 v35, v2;
	v59 =	vld [tilespmem:s11+$0xFFFFFF40];
	[tilespmem:s11+$0xFFFFFF20] =	vst v29  }
0x125: {  	v52 =	vmov s19;
	v2 =	vmul.f32 v36, v2;
	v39 =	vld.idx.msk [tilespmem:v24+s25+$0x0], $0xffff;
	[tilespmem:s11+$0xFFFFFF30] =	vst v28  }
0x126: {  	v27 =	vand.u32 $0xFFFFFFFE, v52;
	[tilespmem:s21+$0xFFFFFF60] =	vst v35;
	v29 =	vmov s14;
	v57 =	vld.idx.msk [tilespmem:v26+s25+$0x0], $0xffff;
	v58 =	vmul.f32 v50, v48  }
0x127: {  	v27 =	vbroadcast v27, $0x0;
	[tilespmem:s21+$0xFFFFFF70] =	vst v2;
	v60 =	vld [tilespmem:s11+$0xFFFFFF50];
	v37 =	vmul.f32 v51, v42  }
0x128: {  	v56 =	vld [tilespmem:s11+$0x30];
	s20 =	sadd.s32 $0xFFFFFFEF, s14;
	v30 =	vmul.f32 v30, v42;
	[tilespmem:s11+$0xFFFFFFA0] =	vst v58  }
0x129: {  	v34 =	vld [tilespmem:s21+$0x70];
	v55 =	vmov s20;
	v40 =	vmul.f32 v53, v48;
	[tilespmem:s11+$0xC0] =	vst v37  }
0x12a: {  	v61 =	vld [tilespmem:s11+$0xF0];
	v28 =	vand.u32 $0xFFFFFFFE, v55;
	[tilespmem:s11+$0xD0] =	vst v30;
	v30 =	vmul.f32 v54, v39  }
0x12b: {  	v28 =	vbroadcast v28, $0x0;
	[tilespmem:s11+$0xFFFFFFB0] =	vst v40;
	v37 =	vld.idx.msk [tilespmem:v29+s25+$0x0], $0xffff;
	v2 =	vmul.f32 v59, v57  }
0x12c: {  	v1 =	vmul.f32 v38, v1;
	s26 =	sadd.s32 $0xFFFFFFE0, s24;
	s22 =	sadd.s32 $0xFFFFFFD0, s14;
	v62 =	vld [tilespmem:s11+$0xFFFFFFC0];
	[tilespmem:s11+$0x20] =	vst v30;
	v35 =	vmul.f32 v60, v57  }
0x12d: {  	v39 =	vmul.f32 v56, v39;
	v41 =	vld.idx.msk [tilespmem:v27+s25+$0x0], $0xffff;
	v30 =	vmov s22;
	[tilespmem:s11+$0xFFFFFF40] =	vst v2;
	v2 =	vmov s26  }
0x12e: {  	s30 =	sadd.s32 $0xFFFFFFF0, s24;
	[tilespmem:s21+$0xE0] =	vst v1;
	v47 =	vld [tilespmem:s11+$0x40];
	v36 =	vmov v2  }
0x12f: {  	v1 =	vmov s30;
	v46 =	vld [tilespmem:s11+$0xFFFFFFD0];
	[tilespmem:s11+$0x30] =	vst v39  }
0x130: {  	v48 =	vld [tilespmem:s11+$0x50];
	[tilespmem:s11+$0xFFFFFF50] =	vst v35;
	v63 =	vmul.f32 v61, v37;
	v35 =	vmov v1  }
0x131: {  	s16 =	sadd.s32 $0xFFFFFFE0, s14;
	v43 =	vld.idx.msk [tilespmem:v28+s25+$0x0], $0xffff;
	s26 =	sadd.s32 $0xFFFFFFF0, s14  }
0x132: {  	s2 =	simm.s32 $0x4;
	s12 =	simm.s32 $0x2D80;
	s3 =	sadd.s32 $0x40, s14;
	v39 =	vmov s16;
	v38 =	vmov s26;
	v40 =	vmul.f32 v62, v41;
	v45 =	vld.idx.msk [tilespmem:v30+s25+$0x0], $0xffff;
	[tilespmem:s11+$0xF0] =	vst v63  }
.LBB2_5:
0x133: {  	s1 =	sadd.s32 $0xFFFFFFDD, s3;
	s17 =	sadd.s32 $0xFFFFFFED, s3;
	s18 =	sadd.s32 $0xFFFFFFFD, s3;
	v49 =	vld.idx.msk [tilespmem:v36+s25+$0x0], $0xffff;
	v36 =	vmov v39  }
0x134: {  	s19 =	sadd.s32 $0xFFFFFFCD, s3;
	s30 =	sadd.s32 $0xFFFFFFCE, s3;
	v39 =	vmov s1;
	s1 =	sadd.s32 $0xFFFFFFDE, s3;
	v42 =	vmov s17;
	v44 =	vmov s18;
	v50 =	vld [tilespmem:s11+$0xFFFFFF60];
	[tilespmem:s11+$0xFFFFFFC0] =	vst v40  }
0x135: {  	v40 =	vmov s19;
	s17 =	sadd.s32 $0xFFFFFFCF, s3;
	s18 =	sadd.s32 $0xFFFFFFDF, s3;
	s19 =	sadd.s32 $0xFFFFFFEE, s3;
	v39 =	vand.u32 $0xFFFFFFFC, v39;
	v44 =	vand.u32 $0xFFFFFFFC, v44;
	v51 =	vld.idx.msk [tilespmem:v35+s25+$0x0], $0xffff;
	v35 =	vmovc v38  }
0x136: {  	s13 =	sadd.s32 $0xFFFFFFD0, s3;
	s20 =	sadd.s32 $0xFFFFFFEF, s3;
	s2 =	sadd.s32 $0x4, s2;
	v38 =	vand.u32 $0xFFFFFFFC, v40;
	v40 =	vand.u32 $0xFFFFFFFC, v42;
	v42 =	vbroadcast v44, $0x0;
	v52 =	vld [tilespmem:s11+$0xFFFFFF70]  }
0x137: {  	s22 =	sadd.s32 $0xFFFFFFF0, s3;
	p5 =	slt.u32 s2, $0x4C;
	v38 =	vbroadcast v38, $0x0;
	v44 =	vmov s30;
	v39 =	vbroadcast v39, $0x0;
	s30 =	sadd.s32 $0xFFFFFFE0, s3;
	v53 =	vld [tilespmem:s11+$0xFFFFFFE0]  }
0x138: {  	v54 =	vmov s1;
	v55 =	vbroadcast v40, $0x0;
	v40 =	vmov s19;
	v56 =	vld [tilespmem:s11+$0xFFFFFFF0]  }
0x139: {  	v54 =	vand.u32 $0xFFFFFFFD, v54;
	v44 =	vand.u32 $0xFFFFFFFD, v44;
	v40 =	vand.u32 $0xFFFFFFFD, v40;
	v57 =	vld [tilespmem:s11+$0x60]  }
0x13a: {  	v54 =	vbroadcast v54, $0x0;
	v58 =	vbroadcast v44, $0x0;
	v44 =	vmov s17;
	v59 =	vld [tilespmem:s11+$0x70]  }
0x13b: {  	v60 =	vmov s18;
	v61 =	vbroadcast v40, $0x0;
	v40 =	vmov s20;
	v62 =	vld [tilespmem:s11+$0xE0]  }
0x13c: {  	v60 =	vand.u32 $0xFFFFFFFE, v60;
	v44 =	vand.u32 $0xFFFFFFFE, v44;
	v63 =	vand.u32 $0xFFFFFFFE, v40;
	s11 =	sadd.s32 $0x200, s11;
	v3 =	vld.idx.msk [tilespmem:v42+s25+$0x0], $0xffff  }
0x13d: {  	s1 =	sadd.s32 $0xFFFFFFFE, s3;
	v40 =	vmov s13;
	v4 =	vbroadcast v44, $0x0;
	v44 =	vbroadcast v60, $0x0;
	v60 =	vld [tilespmem:s11+$0x80]  }
0x13e: {  	v41 =	vmul.f32 v46, v41;
	v5 =	vmov s1;
	v42 =	vbroadcast v63, $0x0;
	v63 =	vld [tilespmem:s11+$0x90]  }
0x13f: {  	v47 =	vmul.f32 v47, v43;
	v43 =	vmul.f32 v48, v43;
	v5 =	vand.u32 $0xFFFFFFFD, v5;
	v46 =	vld.idx.msk [tilespmem:v38+s25+$0x0], $0xffff  }
0x140: {  	v5 =	vbroadcast v5, $0x0;
	v38 =	vmov s22;
	v48 =	vld.idx.msk [tilespmem:v39+s25+$0x0], $0xffff;
	v39 =	vmov s30;
	[tilespmem:s12+$0xFFFFFFD0] =	vst v41  }
0x141: {  	v50 =	vmul.f32 v50, v45;
	v45 =	vmul.f32 v52, v45;
	v41 =	vld.idx.msk [tilespmem:v55+s25+$0x0], $0xffff;
	[tilespmem:s12+$0x40] =	vst v47  }
0x142: {  	v47 =	vld [tilespmem:s11+$0xFFFFFF00];
	v52 =	vmul.f32 v60, v3;
	[tilespmem:s12+$0x50] =	vst v43;
	v43 =	vmul.f32 v31, v49;
	v31 =	vmov v53  }
0x143: {  	v49 =	vmul.f32 v32, v49;
	v32 =	vmov v56;
	v53 =	vld [tilespmem:s11+$0xFFFFFF10];
	v3 =	vmul.f32 v63, v3;
	[tilespmem:s12+$0xFFFFFF60] =	vst v50  }
0x144: {  	v50 =	vld [tilespmem:s11+$0xFFFFFF80];
	[tilespmem:s11+$0x80] =	vst v52;
	v52 =	vmul.f32 v33, v51;
	v51 =	vmul.f32 v34, v51;
	v33 =	vmovc v57;
	v34 =	vmov v59  }
0x145: {  	v55 =	vld [tilespmem:s11+$0xFFFFFF90];
	[tilespmem:s11+$0x90] =	vst v3;
	v3 =	vmul.f32 v62, v37  }
0x146: {  	v5 =	vld.idx.msk [tilespmem:v5+s25+$0x0], $0xffff;
	[tilespmem:s12+$0xFFFFFF70] =	vst v45  }
0x147: {  	s1 =	sadd.s32 $0xFFFFFFFF, s3;
	v37 =	vmul.f32 v47, v46;
	v45 =	vld [tilespmem:s11+$0xA0];
	[tilespmem:s21+$0xFFFFFFE0] =	vst v43  }
0x148: {  	v47 =	vmov s1;
	v43 =	vmul.f32 v53, v46;
	v46 =	vld [tilespmem:s11+$0xB0];
	[tilespmem:s21+$0xFFFFFFF0] =	vst v49  }
0x149: {  	v47 =	vand.u32 $0xFFFFFFFE, v47;
	[tilespmem:s11+$0xFFFFFF00] =	vst v37;
	v37 =	vmul.f32 v50, v48;
	v49 =	vld [tilespmem:s11+$0x0]  }
0x14a: {  	v47 =	vbroadcast v47, $0x0;
	[tilespmem:s11+$0xFFFFFF10] =	vst v43;
	v43 =	vmul.f32 v55, v48;
	v48 =	vld [tilespmem:s11+$0x10]  }
0x14b: {  	v50 =	vld.idx.msk [tilespmem:v58+s25+$0x0], $0xffff;
	[tilespmem:s11+$0xFFFFFF80] =	vst v37  }
0x14c: {  	v37 =	vld [tilespmem:s11+$0xFFFFFF20];
	[tilespmem:s11+$0xFFFFFF90] =	vst v43;
	v43 =	vmul.f32 v45, v5  }
0x14d: {  	v45 =	vld.idx.msk [tilespmem:v54+s25+$0x0], $0xffff;
	v5 =	vmul.f32 v46, v5;
	[tilespmem:s21+$0x60] =	vst v52  }
0x14e: {  	v46 =	vld [tilespmem:s11+$0xFFFFFF30];
	v49 =	vmul.f32 v49, v41;
	[tilespmem:s11+$0xA0] =	vst v43  }
0x14f: {  	v43 =	vld [tilespmem:s11+$0xFFFFFFA0];
	v41 =	vmul.f32 v48, v41;
	[tilespmem:s11+$0xB0] =	vst v5  }
0x150: {  	[tilespmem:s11+$0x0] =	vst v49;
	v5 =	vld.idx.msk [tilespmem:v47+s25+$0x0], $0xffff  }
0x151: {  	v37 =	vmul.f32 v37, v50;
	[tilespmem:s11+$0x10] =	vst v41;
	v41 =	vld [tilespmem:s11+$0xC0]  }
0x152: {  	v47 =	vld [tilespmem:s11+$0xD0];
	[tilespmem:s21+$0x70] =	vst v51;
	s21 =	smov.u32 s12;
	s12 =	smov.u32 s11  }
0x153: {  	[tilespmem:s11+$0xFFFFFF20] =	vst v37;
	v37 =	vmul.f32 v46, v50;
	v46 =	vld.idx.msk [tilespmem:v61+s25+$0x0], $0xffff  }
0x154: {  	v43 =	vmul.f32 v43, v45;
	v48 =	vld [tilespmem:s11+$0xFFFFFFB0];
	[tilespmem:s21+$0xE0] =	vst v3  }
0x155: {  	[tilespmem:s11+$0xFFFFFF30] =	vst v37;
	v3 =	vld [tilespmem:s11+$0x20];
	v37 =	vmov s3  }
0x156: {  	[tilespmem:s11+$0xFFFFFFA0] =	vst v43;
	v43 =	vld [tilespmem:s11+$0x30];
	v41 =	vmul.f32 v41, v5  }
0x157: {  	v4 =	vld.idx.msk [tilespmem:v4+s25+$0x0], $0xffff;
	v5 =	vmul.f32 v47, v5  }
0x158: {  	v47 =	vld [tilespmem:s11+$0xFFFFFF40];
	[tilespmem:s11+$0xC0] =	vst v41  }
0x159: {  	v49 =	vld [tilespmem:s11+$0xFFFFFF50];
	v41 =	vmul.f32 v48, v45;
	[tilespmem:s11+$0xD0] =	vst v5  }
0x15a: {  	v3 =	vmul.f32 v3, v46;
	v37 =	vld.idx.msk [tilespmem:v37+s25+$0x0], $0xffff  }
0x15b: {  	[tilespmem:s11+$0xFFFFFFB0] =	vst v41;
	v5 =	vmul.f32 v43, v46;
	v45 =	vld [tilespmem:s11+$0xF0]  }
0x15c: {  	v41 =	vld.idx.msk [tilespmem:v44+s25+$0x0], $0xffff;
	[tilespmem:s11+$0x20] =	vst v3  }
0x15d: {  	v3 =	vmul.f32 v47, v4;
	v44 =	vld [tilespmem:s11+$0xFFFFFFC0];
	[tilespmem:s11+$0x30] =	vst v5  }
.Ltmp1:
0x15e: {  	v4 =	vmul.f32 v49, v4;
	v43 =	vld.idx.msk [tilespmem:v42+s25+$0x0], $0xffff;
	(pc) =	sbr.rel @p5 .LBB2_5-.Ltmp1, $4  }
0x15f: {  	[tilespmem:s11+$0xFFFFFF40] =	vst v3;
	v46 =	vld [tilespmem:s11+$0xFFFFFFD0]  }
0x160: {  	[tilespmem:s11+$0xFFFFFF50] =	vst v4;
	v47 =	vld [tilespmem:s11+$0x40];
	v3 =	vmul.f32 v45, v37  }
0x161: {  	v48 =	vld [tilespmem:s11+$0x50]  }
0x162: {  	s3 =	sadd.s32 $0x40, s3;
	v45 =	vld.idx.msk [tilespmem:v40+s25+$0x0], $0xffff;
	v40 =	vmul.f32 v44, v41;
	[tilespmem:s11+$0xF0] =	vst v3  }
0x163: {  	_ =	sdelay $0x3  }
0x164: {  	v3 =	vld.idx.msk [tilespmem:v36+s25+$0x0], $0xffff  }
0x165: {  	v4 =	vld [tilespmem:s11+$0xFFFFFF60]  }
0x166: {  	v5 =	vld.idx.msk [tilespmem:v35+s25+$0x0], $0xffff  }
0x167: {  	v60 =	vld [tilespmem:s11+$0xFFFFFF70]  }
0x168: {  	v61 =	vld [tilespmem:s11+$0xFFFFFFE0];
	v41 =	vmul.f32 v46, v41  }
0x169: {  	v62 =	vld [tilespmem:s11+$0xFFFFFFF0];
	[tilespmem:s11+$0xFFFFFFC0] =	vst v40;
	v44 =	vmul.f32 v47, v43  }
0x16a: {  	v42 =	vld [tilespmem:s11+$0x60];
	v49 =	vmul.f32 v48, v43;
	[tilespmem:s12+$0xFFFFFFD0] =	vst v41  }
0x16b: {  	v63 =	vld [tilespmem:s11+$0x70];
	[tilespmem:s12+$0x40] =	vst v44;
	v4 =	vmul.f32 v4, v45  }
0x16c: {  	v50 =	vld [tilespmem:s11+$0xE0];
	v35 =	vmul.f32 v60, v45;
	[tilespmem:s12+$0x50] =	vst v49  }
0x16d: {  	v31 =	vmul.f32 v31, v3;
	[tilespmem:s12+$0xFFFFFF60] =	vst v4;
	v4 =	vld.idx.msk [tilespmem:v39+s25+$0x0], $0xffff  }
0x16e: {  	v3 =	vmul.f32 v32, v3;
	[tilespmem:s12+$0xFFFFFF70] =	vst v35  }
0x16f: {  	v51 =	vmul.f32 v33, v5;
	[tilespmem:s21+$0xFFFFFFE0] =	vst v31;
	v31 =	vld.idx.msk [tilespmem:v38+s25+$0x0], $0xffff  }
0x170: {  	v5 =	vmul.f32 v34, v5;
	[tilespmem:s21+$0xFFFFFFF0] =	vst v3  }
0x171: {  	v3 =	vmul.f32 v50, v37;
	[tilespmem:s21+$0x60] =	vst v51  }
0x172: {  	[tilespmem:s21+$0x70] =	vst v5;
	v5 =	vmul.f32 v61, v4  }
0x173: {  	[tilespmem:s12+$0xE0] =	vst v3;
	v3 =	vmul.f32 v62, v4  }
0x174: {  	v4 =	vmul.f32 v42, v31;
	[tilespmem:s12+$0xFFFFFFE0] =	vst v5  }
0x175: {  	v5 =	vmul.f32 v63, v31;
	[tilespmem:s12+$0xFFFFFFF0] =	vst v3  }
0x176: {  	[tilespmem:s12+$0x60] =	vst v4  }
0x177: {  	s1 =	simm.s32 $0x2A80;
	s2 =	simm.s32 $0x140;
	[tilespmem:s12+$0x70] =	vst v5  }
0x178: {  	[spmem:s29] =	stream.indirect.scatter.add.f32 [tilespmem:s1], [sflag:$0xB], $0x80, s2, s5, $0xb8;
	[tilespmem:$0x1DA10] =	vst v63  }
0x179: {  	_ =	swait.ge [sflag:s28], $0x2800  }
0x17a: {  	[sflag:s28] =	ssyncset.done $0x0  }
0x17b: {  	s1 =	simm.s32 @!p4 $0x1;
	[sflag:s28] =	ssyncadd.s32 $0xFFFFD800  }
0x17c: {  	_ =	swait.ge @!p4 [sflag:s1], $0x50  }
0x17d: {  	[sflag:s1] =	ssyncset.done @!p4 $0x0  }
0x17e: {  	[sflag:s1] =	ssyncadd.s32 @!p4 $0xFFFFFFB0;
	s1 =	simm.s32 @!p4 $0x3  }
0x17f: {  	_ =	swait.ge @!p4 [sflag:s1], $0x50  }
0x180: {  	[sflag:s1] =	ssyncset.done @!p4 $0x0  }
0x181: {  	[sflag:s1] =	ssyncadd.s32 @!p4 $0xFFFFFFB0  }
0x182: {  	v3 =	vld @!p4 [tilespmem:$0x0]  }
0x183: {  	v4 =	vld @!p4 [tilespmem:$0x10]  }
0x184: {  	v5 =	vld @!p4 [tilespmem:$0x20]  }
0x185: {  	v31 =	vld @!p4 [tilespmem:$0x30]  }
0x186: {  	v32 =	vld @!p4 [tilespmem:$0x40]  }
0x187: {  	v3 =	vshll.u32 @!p4 v3, $0x1  }
0x188: {  	v4 =	vshll.u32 @!p4 v4, $0x1;
	v3 =	vor.u32 @!p4 v0, v3  }
0x189: {  	[tilespmem:$0x1E0] =	vst @!p4 v3;
	v3 =	vor.u32 @!p4 v0, v4;
	v4 =	vshll.u32 @!p4 v5, $0x1  }
0x18a: {  	[tilespmem:$0x1F0] =	vst @!p4 v3;
	v3 =	vor.u32 @!p4 v0, v4;
	v4 =	vshll.u32 @!p4 v31, $0x1  }
0x18b: {  	[tilespmem:$0x200] =	vst @!p4 v3;
	v3 =	vor.u32 @!p4 v0, v4;
	v4 =	vshll.u32 @!p4 v32, $0x1  }
0x18c: {  	[tilespmem:$0x210] =	vst @!p4 v3;
	v3 =	vor.u32 @!p4 v0, v4  }
0x18d: {  	s3 =	simm.s32 @!p4 $0x280;
	s2 =	simm.s32 @!p4 $0x0;
	s1 =	simm.s32 @!p4 $0x50;
	[tilespmem:$0x220] =	vst @!p4 v3  }
0x18e: {  	[tilespmem:s3], [sflag:$0x5] =	stream.indirect.gather @!p4 [hbm4b:s8+s1], $0x10, s2, s1, $0xb8;
	[tilespmem:$0x1DA10] =	vst v63  }
0x18f: {  	s2 =	simm.s32 @!p4 $0xA0;
	s3 =	simm.s32 @!p4 $0xC80  }
0x190: {  	[tilespmem:s3], [sflag:$0x7] =	stream.indirect.gather @!p4 [hbm4b:s9+s1], $0x10, s2, s1, $0xb8;
	[tilespmem:$0x1DA10] =	vst v63  }
0x191: {  	s19 =	simm.s32 $0x6;
	s2 =	simm.s32 @!p4 $0x1E0;
	s3 =	simm.s32 @!p4 $0x2A80  }
0x192: {  	[tilespmem:s3], [sflag:$0x9] =	stream.indirect.gather @!p4 [hbm4b:s23+s1], $0x80, s2, s1, $0xb8;
	[tilespmem:$0x1DA10] =	vst v63  }
0x193: {  	_ =	swait.ge [sflag:s19], $0x500  }
0x194: {  	[sflag:s19] =	ssyncset.done $0x0  }
0x195: {  	s20 =	simm.s32 $0x8;
	[sflag:s19] =	ssyncadd.s32 $0xFFFFFB00  }
0x196: {  	_ =	swait.ge [sflag:s20], $0x500  }
0x197: {  	[sflag:s20] =	ssyncset.done $0x0  }
0x198: {  	s21 =	simm.s32 $0x7C0;
	[sflag:s20] =	ssyncadd.s32 $0xFFFFFB00  }
0x199: {  	s22 =	smov.u32 s23;
	s23 =	simm.s32 $0x11C0;
	v3 =	vld [tilespmem:s21+$0x30]  }
0x19a: {  	v4 =	vld [tilespmem:s23+$0x30]  }
0x19b: {  	v5 =	vld [tilespmem:s23+$0xFFFFFFC0]  }
0x19c: {  	v31 =	vld [tilespmem:s21+$0xFFFFFFD0]  }
0x19d: {  	v52 =	vld [tilespmem:s23+$0xFFFFFFD0]  }
0x19e: {  	v53 =	vld [tilespmem:s21+$0xFFFFFFE0]  }
0x19f: {  	v54 =	vld [tilespmem:s23+$0xFFFFFFE0]  }
0x1a0: {  	v55 =	vld [tilespmem:s21+$0xFFFFFFF0]  }
0x1a1: {  	v56 =	vld [tilespmem:s21+$0x0]  }
0x1a2: {  	v58 =	vld [tilespmem:s23+$0x0];
	v3 =	vadd.f32 v4, v3  }
0x1a3: {  	v59 =	vld [tilespmem:s21+$0x10]  }
0x1a4: {  	v4 =	vld [tilespmem:s23+$0xFFFFFFF0];
	v57 =	vmul.f32 $2.000000030e-01, v3  }
0x1a5: {  	v61 =	vld [tilespmem:s23+$0x10];
	v31 =	vadd.f32 v52, v31  }
0x1a6: {  	v63 =	vld [tilespmem:s21+$0x20];
	v33 =	vadd.f32 v54, v53;
	v3 =	vmax.f32 v3, v57  }
0x1a7: {  	s30 =	simm.s32 $0x840;
	v44 =	vld [tilespmem:s23+$0x20];
	v60 =	vmul.f32 $2.000000030e-01, v31;
	v3 =	vmul.f32 $1.442695020e+00, v3  }
0x1a8: {  	v46 =	vld [tilespmem:s30+$0x30];
	v32 =	vadd.f32 v58, v56;
	v62 =	vmul.f32 $2.000000030e-01, v33  }
0x1a9: {  	s2 =	simm.s32 $0x1240;
	v4 =	vadd.f32 v4, v55;
	(erf) = vpow2.f32 v3;
	v3 =	vmax.f32 v31, v60;
	v31 =	vld [tilespmem:s21+$0xFFFFFFC0]  }
0x1aa: {  	v47 =	vld [tilespmem:s2+$0x30];
	v34 =	vadd.f32 v61, v59;
	v3 =	vmul.f32 $1.442695020e+00, v3  }
0x1ab: {  	v48 =	vmul.f32 $2.000000030e-01, v32;
	v33 =	vmax.f32 v33, v62;
	v45 =	vmul.f32 $2.000000030e-01, v4  }
0x1ac: {  	v49 =	vld [tilespmem:s2+$0xFFFFFFD0];
	v35 =	vadd.f32 v44, v63;
	v33 =	vmul.f32 $1.442695020e+00, v33;
	(erf) = vpow2.f32 v3  }
0x1ad: {  	v50 =	vld [tilespmem:s30+$0xFFFFFFE0];
	v51 =	vmul.f32 $2.000000030e-01, v34;
	v32 =	vmax.f32 v32, v48;
	v4 =	vmax.f32 v4, v45  }
0x1ae: {  	v52 =	vld [tilespmem:s2+$0xFFFFFFE0];
	v4 =	vmul.f32 $1.442695020e+00, v4;
	(erf) = vpow2.f32 v33;
	v5 =	vadd.f32 v5, v31  }
0x1af: {  	v36 =	vadd.f32 v47, v46;
	v53 =	vmul.f32 $2.000000030e-01, v35;
	v32 =	vmul.f32 $1.442695020e+00, v32;
	v3 =	vld [tilespmem:s30+$0xFFFFFFD0]  }
0x1b0: {  	v58 =	vld [tilespmem:s30+$0x0];
	v34 =	vmax.f32 v34, v51;
	(erf) = vpow2.f32 v4;
	v54 =	vmul.f32 $2.000000030e-01, v5  }
0x1b1: {  	v35 =	vmax.f32 v35, v53;
	v55 =	vld [tilespmem:s2+$0xFFFFFFF0];
	v34 =	vmul.f32 $1.442695020e+00, v34;
	(erf) = vpow2.f32 v32  }
0x1b2: {  	v57 =	vmul.f32 $2.000000030e-01, v36;
	v35 =	vmul.f32 $1.442695020e+00, v35;
	v4 =	vld [tilespmem:s30+$0xFFFFFFF0];
	v5 =	vmax.f32 v5, v54  }
0x1b3: {  	s3 =	simm.s32 $0x1BC0;
	v59 =	vld [tilespmem:s2+$0x0];
	(erf) = vpow2.f32 v34;
	v56 =	vpop (erf);
	v5 =	vmul.f32 $1.442695020e+00, v5  }
0x1b4: {  	s11 =	simm.s32 $0x25C0;
	v33 =	vld [tilespmem:s30+$0x20];
	v3 =	vadd.f32 v49, v3;
	(erf) = vpow2.f32 v35;
	[tilespmem:s3+$0x30] =	vst v56  }
0x1b5: {  	v61 =	vadd.f32 v52, v50;
	v60 =	vmax.f32 v36, v57;
	v32 =	vld [tilespmem:s30+$0x10];
	[tilespmem:s11+$0x30] =	vst v56;
	v62 =	vpop (erf)  }
0x1b6: {  	v36 =	vmul.f32 $1.442695020e+00, v60;
	v34 =	vld [tilespmem:s2+$0x10];
	v63 =	vmul.f32 $2.000000030e-01, v3;
	[tilespmem:s3+$0xFFFFFFD0] =	vst v62  }
0x1b7: {  	v31 =	vld [tilespmem:s2+$0xFFFFFFC0];
	v37 =	vadd.f32 v55, v4;
	v4 =	vmul.f32 $2.000000030e-01, v61;
	(erf) = vpow2.f32 v5;
	[tilespmem:s11+$0xFFFFFFD0] =	vst v62;
	v5 =	vpop (erf)  }
0x1b8: {  	s17 =	simm.s32 $0x8C0;
	v38 =	vadd.f32 v59, v58;
	(erf) = vpow2.f32 v36;
	v36 =	vld [tilespmem:s2+$0x20];
	[tilespmem:s3+$0xFFFFFFE0] =	vst v5  }
0x1b9: {  	s12 =	simm.s32 $0x1BC0;
	s1 =	simm.s32 $0x8;
	s21 =	simm.s32 $0x25C0;
	v35 =	vld [tilespmem:s30+$0xFFFFFFC0];
	v40 =	vmul.f32 $2.000000030e-01, v37;
	v41 =	vmax.f32 v3, v63;
	v42 =	vmax.f32 v61, v4;
	v39 =	vpop (erf);
	[tilespmem:s11+$0xFFFFFFE0] =	vst v5  }
.LBB2_7:
0x1ba: {  	v3 =	vld [tilespmem:s17+$0x30];
	v43 =	vmul.f32 $1.442695020e+00, v41;
	v5 =	vmul.f32 $1.442695020e+00, v42;
	s2 =	sadd.s32 $0x80, s2;
	[tilespmem:s3+$0xFFFFFFF0] =	vst v39;
	v41 =	vpop (erf)  }
0x1bb: {  	v42 =	vld [tilespmem:s2+$0x30];
	v37 =	vmax.f32 v37, v40;
	v40 =	vmul.f32 $2.000000030e-01, v38;
	v32 =	vadd.f32 v34, v32;
	[tilespmem:s11+$0xFFFFFFF0] =	vst v39  }
0x1bc: {  	s1 =	sadd.s32 $0x8, s1;
	v34 =	vld [tilespmem:s2+$0xFFFFFFC0];
	v37 =	vmul.f32 $1.442695020e+00, v37;
	(erf) = vpow2.f32 v43;
	[tilespmem:s3+$0x0] =	vst v41;
	v4 =	vpop (erf)  }
0x1bd: {  	p5 =	slt.u32 s1, $0x48;
	v39 =	vld [tilespmem:s17+$0xFFFFFFD0];
	v38 =	vmax.f32 v38, v40;
	v40 =	vmul.f32 $2.000000030e-01, v32;
	v33 =	vadd.f32 v36, v33;
	[tilespmem:s11+$0x0] =	vst v41;
	v36 =	vpop (erf)  }
0x1be: {  	v41 =	vld [tilespmem:s2+$0xFFFFFFD0];
	v35 =	vadd.f32 v31, v35  }
0x1bf: {  	v44 =	vmul.f32 $1.442695020e+00, v38;
	(erf) = vpow2.f32 v5;
	[tilespmem:s3+$0x10] =	vst v4;
	v32 =	vmax.f32 v32, v40  }
0x1c0: {  	v5 =	vld [tilespmem:s17+$0xFFFFFFE0];
	v38 =	vmul.f32 $2.000000030e-01, v33;
	(erf) = vpow2.f32 v37;
	[tilespmem:s11+$0x10] =	vst v4;
	v4 =	vpop (erf);
	v3 =	vadd.f32 v42, v3  }
0x1c1: {  	s3 =	sadd.s32 $0x80, s3;
	v37 =	vld [tilespmem:s2+$0xFFFFFFE0];
	v40 =	vmul.f32 $2.000000030e-01, v35;
	v32 =	vmul.f32 $1.442695020e+00, v32;
	v42 =	vpop (erf);
	[tilespmem:s12+$0xFFFFFFC0] =	vst v4  }
0x1c2: {  	s11 =	sadd.s32 $0x80, s11;
	v43 =	vld [tilespmem:s17+$0xFFFFFFF0];
	v33 =	vmax.f32 v33, v38;
	[tilespmem:s3+$0x30] =	vst v42;
	(erf) = vpow2.f32 v44;
	v31 =	vmovc v34;
	v34 =	vmul.f32 $2.000000030e-01, v3  }
0x1c3: {  	v38 =	vld [tilespmem:s2+$0xFFFFFFF0];
	v35 =	vmax.f32 v35, v40;
	v33 =	vmul.f32 $1.442695020e+00, v33;
	[tilespmem:s11+$0x30] =	vst v42;
	v39 =	vadd.f32 v41, v39  }
0x1c4: {  	v44 =	vld [tilespmem:s17+$0x0];
	v35 =	vmul.f32 $1.442695020e+00, v35;
	(erf) = vpow2.f32 v32;
	[tilespmem:s21+$0xFFFFFFC0] =	vst v4  }
0x1c5: {  	v4 =	vld [tilespmem:s2+$0x0];
	v3 =	vmax.f32 v3, v34;
	(erf) = vpow2.f32 v33;
	[tilespmem:s12+$0x20] =	vst v36;
	s12 =	smov.u32 s3;
	v40 =	vmul.f32 $2.000000030e-01, v39  }
.Ltmp2:
0x1c6: {  	v5 =	vadd.f32 v37, v5;
	v32 =	vld [tilespmem:s17+$0x10];
	v45 =	vmul.f32 $1.442695020e+00, v3;
	v41 =	vpop (erf);
	[tilespmem:s21+$0x20] =	vst v36;
	(pc) =	sbr.rel @p5 .LBB2_7-.Ltmp2, $4  }
0x1c7: {  	s21 =	smov.u32 s11;
	v34 =	vld [tilespmem:s2+$0x10];
	[tilespmem:s3+$0xFFFFFFD0] =	vst v41;
	(erf) = vpow2.f32 v35  }
0x1c8: {  	v42 =	vmul.f32 $2.000000030e-01, v5;
	v37 =	vadd.f32 v38, v43;
	v33 =	vld [tilespmem:s17+$0x20];
	(erf) = vpow2.f32 v45;
	[tilespmem:s11+$0xFFFFFFD0] =	vst v41;
	v3 =	vpop (erf)  }
0x1c9: {  	v41 =	vmax.f32 v39, v40;
	v36 =	vld [tilespmem:s2+$0x20];
	[tilespmem:s3+$0xFFFFFFE0] =	vst v3;
	v39 =	vpop (erf)  }
0x1ca: {  	v35 =	vld [tilespmem:s17+$0xFFFFFFC0];
	v42 =	vmax.f32 v5, v42;
	v40 =	vmul.f32 $2.000000030e-01, v37;
	v38 =	vadd.f32 v4, v44;
	s17 =	sadd.s32 $0x80, s17;
	[tilespmem:s11+$0xFFFFFFE0] =	vst v3  }
0x1cb: {  	v3 =	vmul.f32 $1.442695020e+00, v41;
	[tilespmem:s3+$0xFFFFFFF0] =	vst v39  }
0x1cc: {  	v4 =	vmul.f32 $1.442695020e+00, v42;
	v5 =	vpop (erf);
	[tilespmem:s11+$0xFFFFFFF0] =	vst v39  }
0x1cd: {  	v37 =	vmax.f32 v37, v40;
	[tilespmem:s3+$0x0] =	vst v5;
	(erf) = vpow2.f32 v3;
	v3 =	vadd.f32 v34, v32  }
0x1ce: {  	v60 =	vmul.f32 $2.000000030e-01, v38;
	v61 =	vmul.f32 $1.442695020e+00, v37;
	v62 =	vpop (erf);
	[tilespmem:s11+$0x0] =	vst v5  }
0x1cf: {  	v63 =	vpop (erf);
	(erf) = vpow2.f32 v4;
	[tilespmem:s3+$0x10] =	vst v62;
	v4 =	vmul.f32 $2.000000030e-01, v3  }
0x1d0: {  	v5 =	vmax.f32 v38, v60;
	v33 =	vadd.f32 v36, v33;
	v31 =	vadd.f32 v31, v35;
	[tilespmem:s11+$0x10] =	vst v62  }
0x1d1: {  	v5 =	vmul.f32 $1.442695020e+00, v5;
	[tilespmem:s12+$0x20] =	vst v63;
	v39 =	vpop (erf);
	(erf) = vpow2.f32 v61;
	v3 =	vmax.f32 v3, v4  }
0x1d2: {  	v40 =	vmul.f32 $2.000000030e-01, v33;
	[tilespmem:s21+$0x20] =	vst v63;
	v3 =	vmul.f32 $1.442695020e+00, v3  }
0x1d3: {  	s1 =	sadd.s32 $0x80, s3;
	v41 =	vpop (erf);
	[tilespmem:s12+$0xFFFFFFC0] =	vst v39;
	v4 =	vmul.f32 $2.000000030e-01, v31;
	(erf) = vpow2.f32 v5  }
0x1d4: {  	[tilespmem:s1+$0x30] =	vst v41;
	v33 =	vmax.f32 v33, v40  }
0x1d5: {  	s2 =	sadd.s32 $0x80, s11;
	[tilespmem:s21+$0xFFFFFFC0] =	vst v39;
	v4 =	vmax.f32 v31, v4;
	v5 =	vmul.f32 $1.442695020e+00, v33;
	(erf) = vpow2.f32 v3  }
0x1d6: {  	[tilespmem:s2+$0x30] =	vst v41;
	v4 =	vmul.f32 $1.442695020e+00, v4;
	v3 =	vpop (erf)  }
0x1d7: {  	(erf) = vpow2.f32 v5;
	[tilespmem:s1+$0xFFFFFFD0] =	vst v3  }
0x1d8: {  	(erf) = vpow2.f32 v4;
	[tilespmem:s2+$0xFFFFFFD0] =	vst v3;
	v3 =	vpop (erf)  }
0x1d9: {  	[tilespmem:s1+$0xFFFFFFE0] =	vst v3  }
0x1da: {  	v4 =	vpop (erf);
	[tilespmem:s2+$0xFFFFFFE0] =	vst v3  }
0x1db: {  	[tilespmem:s1+$0xFFFFFFF0] =	vst v4  }
0x1dc: {  	v3 =	vpop (erf);
	[tilespmem:s2+$0xFFFFFFF0] =	vst v4  }
0x1dd: {  	[tilespmem:s1+$0x0] =	vst v3  }
0x1de: {  	[tilespmem:s2+$0x0] =	vst v3;
	v4 =	vpop (erf)  }
0x1df: {  	[tilespmem:s1+$0x10] =	vst v4  }
0x1e0: {  	v3 =	vpop (erf);
	[tilespmem:s2+$0x10] =	vst v4  }
0x1e1: {  	v4 =	vpop (erf);
	[tilespmem:s1+$0x20] =	vst v3  }
0x1e2: {  	[tilespmem:s1+$0xFFFFFFC0] =	vst v4  }
0x1e3: {  	[tilespmem:s2+$0x20] =	vst v3  }
0x1e4: {  	[tilespmem:s2+$0xFFFFFFC0] =	vst v4  }
0x1e5: {  	v3 =	vld [tilespmem:$0xF0]  }
0x1e6: {  	v4 =	vld [tilespmem:$0x100]  }
0x1e7: {  	v5 =	vld [tilespmem:$0x110]  }
0x1e8: {  	v42 =	vld [tilespmem:$0x120]  }
0x1e9: {  	v32 =	vld [tilespmem:$0x130]  }
0x1ea: {  	[tilespmem:$0x190] =	vst v3  }
0x1eb: {  	[tilespmem:$0x1A0] =	vst v4  }
0x1ec: {  	[tilespmem:$0x1B0] =	vst v5  }
0x1ed: {  	[tilespmem:$0x1C0] =	vst v42  }
0x1ee: {  	s3 =	simm.s32 @!p3 $0x1B80;
	s1 =	simm.s32 @!p3 $0x50;
	s2 =	simm.s32 @!p3 $0x190;
	[tilespmem:$0x1D0] =	vst v32  }
0x1ef: {  	[spmem:s31] =	stream.indirect.scatter.add.f32 @!p3 [tilespmem:s3], [sflag:$0xB], $0x10, s2, s1, $0xb8;
	[tilespmem:$0x1DA10] =	vst v63  }
0x1f0: {  	s1 =	simm.s32 @!p3 $0xB  }
0x1f1: {  	_ =	swait.ge @!p3 [sflag:s1], $0x500  }
0x1f2: {  	[sflag:s1] =	ssyncset.done @!p3 $0x0  }
0x1f3: {  	[sflag:s1] =	ssyncadd.s32 @!p3 $0xFFFFFB00  }
0x1f4: {  	_ =	swait.ge [sflag:s0], $0x2800  }
0x1f5: {  	s1 =	rddreg [dreg:$0xd]  }
0x1f6: {  	s1 =	sadd.s32 @!p4 s15, s1  }
0x1f7: {  	s11 =	simm.s32 @!p4 $0x50;
	[sflag:s0] =	ssyncset.done $0x0;
	s1 =	sshrl.u32 @!p4 s1, $0x3  }
0x1f8: {  	s3 =	simm.s32 @!p4 $0x0;
	[sflag:s0] =	ssyncadd.s32 $0xFFFFD800;
	s2 =	sadd.s32 @!p4 s6, s1  }
0x1f9: {  	v3 =	vld [tilespmem:$0x1FFD0];
	[tilespmem:s11], [sflag:$0x2] =	stream.linear.gather @!p4 [hbm4b:s2+s3], $0x50, $0x38  }
0x1fa: {  	v43 =	vld [tilespmem:$0x1FFE0];
	s15 =	simm.s32 $0x5380;
	s1 =	sadd.s32 @!p4 s7, s1;
	s2 =	simm.s32 @!p4 $0xF0  }
0x1fb: {  	v44 =	vld [tilespmem:$0x1FFF0];
	[tilespmem:s2], [sflag:$0x4] =	stream.linear.gather @!p4 [hbm4b:s1+s3], $0x50, $0x38  }
0x1fc: {  	v4 =	vld [tilespmem:s15+$0x80]  }
0x1fd: {  	v5 =	vld [tilespmem:s15+$0x90]  }
0x1fe: {  	v6 =	vld.idx.msk [tilespmem:v6+s10+$0x0], $0xffff  }
0x1ff: {  	v45 =	vld [tilespmem:s15+$0xFFFFFF00]  }
0x200: {  	v46 =	vld [tilespmem:s15+$0xFFFFFF10]  }
0x201: {  	v47 =	vld [tilespmem:s15+$0xA0]  }
0x202: {  	v48 =	vld [tilespmem:s15+$0xB0]  }
0x203: {  	v49 =	vld [tilespmem:s15+$0x10]  }
0x204: {  	v50 =	vld [tilespmem:s15+$0xFFFFFF30]  }
0x205: {  	s11 =	simm.s32 $0x5580;
	v17 =	vld.idx.msk [tilespmem:v17+s10+$0x0], $0xffff  }
0x206: {  	v51 =	vld [tilespmem:s11+$0x80]  }
0x207: {  	v52 =	vld [tilespmem:s11+$0x90]  }
0x208: {  	v18 =	vld.idx.msk [tilespmem:v18+s10+$0x0], $0xffff  }
0x209: {  	v19 =	vld.idx.msk [tilespmem:v19+s10+$0x0], $0xffff  }
0x20a: {  	v20 =	vld.idx.msk [tilespmem:v20+s10+$0x0], $0xffff  }
0x20b: {  	v53 =	vld [tilespmem:s11+$0xFFFFFF00]  }
0x20c: {  	v54 =	vld [tilespmem:s11+$0xFFFFFF10]  }
0x20d: {  	v55 =	vld [tilespmem:s11+$0xFFFFFF80]  }
0x20e: {  	v56 =	vld [tilespmem:s11+$0xFFFFFF90]  }
0x20f: {  	v3 =	vld.idx.msk [tilespmem:v3+s10+$0x0], $0xffff  }
0x210: {  	v58 =	vld [tilespmem:s11+$0xA0]  }
0x211: {  	v59 =	vld [tilespmem:s11+$0xB0]  }
0x212: {  	v61 =	vld [tilespmem:s11+$0x0];
	v57 =	vmul.f32 v53, v18  }
0x213: {  	v31 =	vld.idx.msk [tilespmem:v43+s10+$0x0], $0xffff;
	v18 =	vmul.f32 v54, v18  }
0x214: {  	v32 =	vld.idx.msk [tilespmem:v44+s10+$0x0], $0xffff;
	v4 =	vmul.f32 v4, v3;
	[tilespmem:s11+$0xFFFFFF00] =	vst v57  }
0x215: {  	v3 =	vmul.f32 v5, v3;
	v5 =	vld [tilespmem:s15+$0xFFFFFF80];
	[tilespmem:s11+$0xFFFFFF10] =	vst v18  }
0x216: {  	v62 =	vld [tilespmem:s11+$0xFFFFFF20];
	v60 =	vmul.f32 v55, v19;
	[tilespmem:s15+$0x80] =	vst v4  }
0x217: {  	v18 =	vmul.f32 v56, v19;
	v4 =	vld [tilespmem:s15+$0xFFFFFF90];
	[tilespmem:s15+$0x90] =	vst v3  }
0x218: {  	[tilespmem:s11+$0xFFFFFF80] =	vst v60;
	v3 =	vld.idx.msk [tilespmem:v7+s10+$0x0], $0xffff;
	v7 =	vmul.f32 v45, v31  }
0x219: {  	v63 =	vld [tilespmem:s11+$0xFFFFFFA0];
	v31 =	vmul.f32 v46, v31;
	[tilespmem:s11+$0xFFFFFF90] =	vst v18  }
0x21a: {  	v19 =	vld [tilespmem:s11+$0x10];
	[tilespmem:s15+$0xFFFFFF00] =	vst v7;
	v5 =	vmul.f32 v5, v32  }
0x21b: {  	v22 =	vld.idx.msk [tilespmem:v22+s10+$0x0], $0xffff;
	[tilespmem:s15+$0xFFFFFF10] =	vst v31;
	v31 =	vmul.f32 v51, v17  }
0x21c: {  	v23 =	vld.idx.msk [tilespmem:v23+s10+$0x0], $0xffff;
	v17 =	vmul.f32 v52, v17;
	[tilespmem:s15+$0xFFFFFF80] =	vst v5  }
0x21d: {  	v7 =	vld [tilespmem:s15+$0x0];
	v4 =	vmul.f32 v4, v32;
	[tilespmem:s11+$0x80] =	vst v31  }
0x21e: {  	v8 =	vld.idx.msk [tilespmem:v8+s10+$0x0], $0xffff;
	[tilespmem:s11+$0x90] =	vst v17  }
0x21f: {  	v5 =	vld [tilespmem:s15+$0xFFFFFF20];
	[tilespmem:s15+$0xFFFFFF90] =	vst v4;
	v4 =	vmul.f32 v47, v3  }
0x220: {  	v17 =	vld.idx.msk [tilespmem:v21+s10+$0x0], $0xffff;
	v3 =	vmul.f32 v48, v3  }
0x221: {  	v9 =	vld.idx.msk [tilespmem:v9+s10+$0x0], $0xffff;
	[tilespmem:s15+$0xA0] =	vst v4  }
0x222: {  	v4 =	vmul.f32 v7, v6;
	v7 =	vld [tilespmem:s15+$0xFFFFFFA0];
	[tilespmem:s15+$0xB0] =	vst v3  }
0x223: {  	v3 =	vmul.f32 v49, v6;
	v6 =	vld.idx.msk [tilespmem:v10+s10+$0x0], $0xffff  }
0x224: {  	[tilespmem:s15+$0x0] =	vst v4;
	v4 =	vld [tilespmem:s15+$0xC0]  }
0x225: {  	v5 =	vmul.f32 v5, v8;
	[tilespmem:s15+$0x10] =	vst v3;
	v3 =	vld [tilespmem:s15+$0xD0]  }
0x226: {  	v8 =	vmul.f32 v50, v8;
	v10 =	vld.idx.msk [tilespmem:v11+s10+$0x0], $0xffff  }
0x227: {  	v18 =	vmul.f32 v58, v17;
	v11 =	vld [tilespmem:s15+$0xFFFFFFB0];
	[tilespmem:s15+$0xFFFFFF20] =	vst v5  }
0x228: {  	v17 =	vmul.f32 v59, v17;
	v5 =	vld [tilespmem:s15+$0x20];
	[tilespmem:s15+$0xFFFFFF30] =	vst v8  }
0x229: {  	v8 =	vld [tilespmem:s15+$0x30];
	[tilespmem:s11+$0xA0] =	vst v18  }
0x22a: {  	v12 =	vld.idx.msk [tilespmem:v12+s10+$0x0], $0xffff;
	v18 =	vmul.f32 v61, v20;
	[tilespmem:s11+$0xB0] =	vst v17  }
0x22b: {  	v17 =	vld.idx.msk [tilespmem:v25+s10+$0x0], $0xffff  }
0x22c: {  	[tilespmem:s11+$0x0] =	vst v18;
	v18 =	vld [tilespmem:s11+$0xC0];
	v4 =	vmul.f32 v4, v6  }
0x22d: {  	v3 =	vmul.f32 v3, v6;
	v6 =	vmul.f32 v7, v9;
	v7 =	vld [tilespmem:s15+$0xFFFFFF40]  }
0x22e: {  	[tilespmem:s15+$0xC0] =	vst v4;
	v4 =	vld [tilespmem:s15+$0xFFFFFF50]  }
0x22f: {  	[tilespmem:s15+$0xD0] =	vst v3;
	v3 =	vmul.f32 v5, v10;
	v5 =	vmul.f32 v8, v10;
	v8 =	vld [tilespmem:s15+$0xF0]  }
0x230: {  	v10 =	vld [tilespmem:s15+$0xFFFFFFD0]  }
0x231: {  	v9 =	vmul.f32 v11, v9;
	[tilespmem:s15+$0xFFFFFFA0] =	vst v6;
	v6 =	vld [tilespmem:s15+$0xFFFFFFE0]  }
0x232: {  	v11 =	vld.idx.msk [tilespmem:v15+s10+$0x0], $0xffff  }
0x233: {  	[tilespmem:s15+$0xFFFFFFB0] =	vst v9;
	v15 =	vld [tilespmem:s15+$0xFFFFFF60]  }
0x234: {  	v9 =	vld.idx.msk [tilespmem:v13+s10+$0x0], $0xffff  }
0x235: {  	[tilespmem:s15+$0x20] =	vst v3;
	v3 =	vld [tilespmem:s15+$0xFFFFFFC0]  }
0x236: {  	[tilespmem:s15+$0x30] =	vst v5;
	v13 =	vld [tilespmem:s15+$0x50]  }
0x237: {  	v5 =	vmul.f32 v7, v12;
	v7 =	vld.idx.msk [tilespmem:v14+s10+$0x0], $0xffff  }
0x238: {  	v4 =	vmul.f32 v4, v12;
	v12 =	vld [tilespmem:s15+$0x40]  }
0x239: {  	[tilespmem:s15+$0xFFFFFF40] =	vst v5;
	v5 =	vld [tilespmem:s15+$0x60]  }
0x23a: {  	[tilespmem:s15+$0xFFFFFF50] =	vst v4;
	v4 =	vld [tilespmem:s15+$0xFFFFFFF0]  }
0x23b: {  	v3 =	vmul.f32 v3, v9;
	v9 =	vmul.f32 v10, v9;
	v10 =	vld [tilespmem:s11+$0xFFFFFF30]  }
0x23c: {  	v14 =	vld.idx.msk [tilespmem:v16+s10+$0x0], $0xffff  }
0x23d: {  	v16 =	vld [tilespmem:s15+$0xFFFFFF70];
	[tilespmem:s15+$0xFFFFFFC0] =	vst v3;
	v3 =	vmul.f32 v8, v11  }
0x23e: {  	v8 =	vld [tilespmem:s15+$0xE0];
	[tilespmem:s15+$0xFFFFFFD0] =	vst v9;
	v9 =	vmul.f32 v19, v20  }
0x23f: {  	v19 =	vld [tilespmem:s11+$0x30];
	v12 =	vmul.f32 v12, v7;
	[tilespmem:s15+$0xF0] =	vst v3  }
0x240: {  	v7 =	vmul.f32 v13, v7;
	[tilespmem:s11+$0x10] =	vst v9;
	v9 =	vld [tilespmem:s11+$0xD0]  }
0x241: {  	v20 =	vld [tilespmem:s11+$0xFFFFFF50];
	[tilespmem:s15+$0x40] =	vst v12;
	v12 =	vmul.f32 v62, v22  }
0x242: {  	v13 =	vld.idx.msk [tilespmem:v24+s10+$0x0], $0xffff;
	[tilespmem:s15+$0x50] =	vst v7;
	v7 =	vmul.f32 v10, v22  }
0x243: {  	v10 =	vld [tilespmem:s11+$0xFFFFFFB0];
	v15 =	vmul.f32 v15, v14;
	[tilespmem:s11+$0xFFFFFF20] =	vst v12  }
0x244: {  	v12 =	vld [tilespmem:s11+$0x20];
	[tilespmem:s11+$0xFFFFFF30] =	vst v7;
	v7 =	vmul.f32 v18, v17  }
0x245: {  	v3 =	vld [tilespmem:s15+$0x70];
	[tilespmem:s15+$0xFFFFFF60] =	vst v15;
	v9 =	vmul.f32 v9, v17  }
0x246: {  	v14 =	vmul.f32 v16, v14;
	v18 =	vld [tilespmem:s11+$0xFFFFFF40];
	[tilespmem:s11+$0xC0] =	vst v7  }
0x247: {  	v15 =	vld.idx.msk [tilespmem:v26+s10+$0x0], $0xffff;
	v17 =	vmul.f32 v63, v23;
	[tilespmem:s11+$0xD0] =	vst v9  }
0x248: {  	[tilespmem:s15+$0xFFFFFF70] =	vst v14;
	v10 =	vmul.f32 v10, v23;
	v7 =	vld.idx.msk [tilespmem:v29+s10+$0x0], $0xffff  }
0x249: {  	v8 =	vmul.f32 v8, v11;
	[tilespmem:s11+$0xFFFFFFA0] =	vst v17;
	v9 =	vmul.f32 v12, v13;
	v12 =	vld [tilespmem:s11+$0xF0]  }
0x24a: {  	v11 =	vld [tilespmem:s11+$0xFFFFFFC0];
	[tilespmem:s11+$0xFFFFFFB0] =	vst v10  }
0x24b: {  	[tilespmem:s15+$0xE0] =	vst v8;
	v10 =	vmul.f32 v19, v13;
	v13 =	vld.idx.msk [tilespmem:v27+s10+$0x0], $0xffff  }
0x24c: {  	v16 =	vld [tilespmem:s11+$0x40];
	v8 =	vmul.f32 v20, v15;
	[tilespmem:s11+$0x20] =	vst v9  }
0x24d: {  	v17 =	vld [tilespmem:s11+$0xFFFFFFD0];
	[tilespmem:s11+$0x30] =	vst v10;
	v9 =	vmul.f32 v18, v15  }
0x24e: {  	v18 =	vld [tilespmem:s11+$0x50];
	[tilespmem:s11+$0xFFFFFF50] =	vst v8;
	v12 =	vmul.f32 v12, v7  }
0x24f: {  	s12 =	simm.s32 $0x5580;
	v14 =	vld.idx.msk [tilespmem:v28+s10+$0x0], $0xffff;
	[tilespmem:s11+$0xFFFFFF40] =	vst v9  }
0x250: {  	s21 =	smov.u32 s31;
	s2 =	simm.s32 $0x4;
	s3 =	sadd.s32 $0x40, s14;
	v8 =	vmov s26;
	v9 =	vmov s16;
	v15 =	vld.idx.msk [tilespmem:v30+s10+$0x0], $0xffff;
	v10 =	vmul.f32 v11, v13;
	[tilespmem:s11+$0xF0] =	vst v12  }
.LBB2_9:
0x251: {  	s1 =	sadd.s32 $0xFFFFFFDD, s3;
	s13 =	sadd.s32 $0xFFFFFFED, s3;
	s14 =	sadd.s32 $0xFFFFFFFD, s3;
	v19 =	vld.idx.msk [tilespmem:v2+s10+$0x0], $0xffff;
	v2 =	vmov v9  }
0x252: {  	s16 =	sadd.s32 $0xFFFFFFCD, s3;
	s17 =	sadd.s32 $0xFFFFFFCE, s3;
	v9 =	vmov s1;
	s1 =	sadd.s32 $0xFFFFFFDE, s3;
	v11 =	vmov s13;
	v12 =	vmov s14;
	v20 =	vld [tilespmem:s11+$0xFFFFFF60];
	[tilespmem:s11+$0xFFFFFFC0] =	vst v10  }
0x253: {  	v10 =	vmov s16;
	s13 =	sadd.s32 $0xFFFFFFCF, s3;
	s14 =	sadd.s32 $0xFFFFFFDF, s3;
	s16 =	sadd.s32 $0xFFFFFFEE, s3;
	v9 =	vand.u32 $0xFFFFFFFC, v9;
	v12 =	vand.u32 $0xFFFFFFFC, v12;
	v21 =	vld.idx.msk [tilespmem:v1+s10+$0x0], $0xffff;
	v1 =	vmovc v8  }
0x254: {  	s18 =	sadd.s32 $0xFFFFFFD0, s3;
	s19 =	sadd.s32 $0xFFFFFFEF, s3;
	s2 =	sadd.s32 $0x4, s2;
	v8 =	vand.u32 $0xFFFFFFFC, v10;
	v10 =	vand.u32 $0xFFFFFFFC, v11;
	v11 =	vbroadcast v12, $0x0;
	v22 =	vld [tilespmem:s11+$0xFFFFFF70]  }
0x255: {  	s20 =	sadd.s32 $0xFFFFFFF0, s3;
	p4 =	slt.u32 s2, $0x4C;
	v8 =	vbroadcast v8, $0x0;
	v12 =	vmov s17;
	v9 =	vbroadcast v9, $0x0;
	s17 =	sadd.s32 $0xFFFFFFE0, s3;
	v23 =	vld [tilespmem:s11+$0xFFFFFFE0]  }
0x256: {  	v24 =	vmov s1;
	v25 =	vbroadcast v10, $0x0;
	v10 =	vmov s16;
	v26 =	vld [tilespmem:s11+$0xFFFFFFF0]  }
0x257: {  	v24 =	vand.u32 $0xFFFFFFFD, v24;
	v12 =	vand.u32 $0xFFFFFFFD, v12;
	v10 =	vand.u32 $0xFFFFFFFD, v10;
	v27 =	vld [tilespmem:s11+$0x60]  }
0x258: {  	v24 =	vbroadcast v24, $0x0;
	v28 =	vbroadcast v12, $0x0;
	v12 =	vmov s13;
	v29 =	vld [tilespmem:s11+$0x70]  }
0x259: {  	v30 =	vmov s14;
	v31 =	vbroadcast v10, $0x0;
	v10 =	vmov s19;
	v32 =	vld [tilespmem:s11+$0xE0]  }
0x25a: {  	v30 =	vand.u32 $0xFFFFFFFE, v30;
	v12 =	vand.u32 $0xFFFFFFFE, v12;
	v33 =	vand.u32 $0xFFFFFFFE, v10;
	s11 =	sadd.s32 $0x200, s11;
	v34 =	vld.idx.msk [tilespmem:v11+s10+$0x0], $0xffff  }
0x25b: {  	s1 =	sadd.s32 $0xFFFFFFFE, s3;
	v10 =	vmov s18;
	v35 =	vbroadcast v12, $0x0;
	v12 =	vbroadcast v30, $0x0;
	v30 =	vld [tilespmem:s11+$0x80]  }
0x25c: {  	v13 =	vmul.f32 v17, v13;
	v36 =	vmov s1;
	v11 =	vbroadcast v33, $0x0;
	v33 =	vld [tilespmem:s11+$0x90]  }
0x25d: {  	v16 =	vmul.f32 v16, v14;
	v14 =	vmul.f32 v18, v14;
	v36 =	vand.u32 $0xFFFFFFFD, v36;
	v17 =	vld.idx.msk [tilespmem:v8+s10+$0x0], $0xffff  }
0x25e: {  	v36 =	vbroadcast v36, $0x0;
	v8 =	vmov s20;
	v18 =	vld.idx.msk [tilespmem:v9+s10+$0x0], $0xffff;
	v9 =	vmov s17;
	[tilespmem:s12+$0xFFFFFFD0] =	vst v13  }
0x25f: {  	v20 =	vmul.f32 v20, v15;
	v15 =	vmul.f32 v22, v15;
	v13 =	vld.idx.msk [tilespmem:v25+s10+$0x0], $0xffff;
	[tilespmem:s12+$0x40] =	vst v16  }
0x260: {  	v16 =	vld [tilespmem:s11+$0xFFFFFF00];
	v22 =	vmul.f32 v30, v34;
	[tilespmem:s12+$0x50] =	vst v14;
	v14 =	vmul.f32 v6, v19;
	v6 =	vmov v23  }
0x261: {  	v19 =	vmul.f32 v4, v19;
	v4 =	vmov v26;
	v23 =	vld [tilespmem:s11+$0xFFFFFF10];
	v25 =	vmul.f32 v33, v34;
	[tilespmem:s12+$0xFFFFFF60] =	vst v20  }
0x262: {  	v20 =	vld [tilespmem:s11+$0xFFFFFF80];
	[tilespmem:s11+$0x80] =	vst v22;
	v22 =	vmul.f32 v5, v21;
	v21 =	vmul.f32 v3, v21;
	v5 =	vmovc v27;
	v3 =	vmov v29  }
0x263: {  	v7 =	vmul.f32 v32, v7;
	v26 =	vld [tilespmem:s11+$0xFFFFFF90];
	[tilespmem:s11+$0x90] =	vst v25  }
0x264: {  	v25 =	vld.idx.msk [tilespmem:v36+s10+$0x0], $0xffff;
	[tilespmem:s12+$0xFFFFFF70] =	vst v15  }
0x265: {  	s1 =	sadd.s32 $0xFFFFFFFF, s3;
	v15 =	vmul.f32 v16, v17;
	v16 =	vld [tilespmem:s11+$0xA0];
	[tilespmem:s15+$0xFFFFFFE0] =	vst v14  }
0x266: {  	v14 =	vmul.f32 v23, v17;
	v17 =	vld [tilespmem:s11+$0xB0];
	v23 =	vmov s1;
	[tilespmem:s15+$0xFFFFFFF0] =	vst v19  }
0x267: {  	[tilespmem:s11+$0xFFFFFF00] =	vst v15;
	v15 =	vmul.f32 v20, v18;
	v19 =	vld [tilespmem:s11+$0x0];
	v20 =	vand.u32 $0xFFFFFFFE, v23  }
0x268: {  	[tilespmem:s11+$0xFFFFFF10] =	vst v14;
	v14 =	vmul.f32 v26, v18;
	v18 =	vld [tilespmem:s11+$0x10];
	v20 =	vbroadcast v20, $0x0  }
0x269: {  	v23 =	vld.idx.msk [tilespmem:v28+s10+$0x0], $0xffff;
	[tilespmem:s11+$0xFFFFFF80] =	vst v15  }
0x26a: {  	v15 =	vld [tilespmem:s11+$0xFFFFFF20];
	[tilespmem:s11+$0xFFFFFF90] =	vst v14;
	v14 =	vmul.f32 v16, v25  }
0x26b: {  	v16 =	vld.idx.msk [tilespmem:v24+s10+$0x0], $0xffff;
	v17 =	vmul.f32 v17, v25;
	[tilespmem:s15+$0x60] =	vst v22  }
0x26c: {  	v22 =	vld [tilespmem:s11+$0xFFFFFF30];
	v19 =	vmul.f32 v19, v13;
	[tilespmem:s11+$0xA0] =	vst v14  }
0x26d: {  	v14 =	vld [tilespmem:s11+$0xFFFFFFA0];
	v13 =	vmul.f32 v18, v13;
	[tilespmem:s11+$0xB0] =	vst v17  }
0x26e: {  	[tilespmem:s11+$0x0] =	vst v19;
	v17 =	vld.idx.msk [tilespmem:v20+s10+$0x0], $0xffff  }
0x26f: {  	v15 =	vmul.f32 v15, v23;
	[tilespmem:s11+$0x10] =	vst v13;
	v13 =	vld [tilespmem:s11+$0xC0]  }
0x270: {  	v18 =	vld [tilespmem:s11+$0xD0];
	[tilespmem:s15+$0x70] =	vst v21;
	s15 =	smov.u32 s12;
	s12 =	smov.u32 s11  }
0x271: {  	[tilespmem:s11+$0xFFFFFF20] =	vst v15;
	v15 =	vmul.f32 v22, v23;
	v19 =	vld.idx.msk [tilespmem:v31+s10+$0x0], $0xffff  }
0x272: {  	v14 =	vmul.f32 v14, v16;
	v20 =	vld [tilespmem:s11+$0xFFFFFFB0];
	[tilespmem:s15+$0xE0] =	vst v7  }
0x273: {  	[tilespmem:s11+$0xFFFFFF30] =	vst v15;
	v7 =	vld [tilespmem:s11+$0x20];
	v15 =	vmov s3  }
0x274: {  	[tilespmem:s11+$0xFFFFFFA0] =	vst v14;
	v14 =	vld [tilespmem:s11+$0x30];
	v13 =	vmul.f32 v13, v17  }
0x275: {  	v21 =	vld.idx.msk [tilespmem:v35+s10+$0x0], $0xffff;
	v17 =	vmul.f32 v18, v17  }
0x276: {  	v18 =	vld [tilespmem:s11+$0xFFFFFF40];
	[tilespmem:s11+$0xC0] =	vst v13  }
0x277: {  	v22 =	vld [tilespmem:s11+$0xFFFFFF50];
	v13 =	vmul.f32 v20, v16;
	[tilespmem:s11+$0xD0] =	vst v17  }
0x278: {  	v16 =	vmul.f32 v7, v19;
	v7 =	vld.idx.msk [tilespmem:v15+s10+$0x0], $0xffff  }
0x279: {  	[tilespmem:s11+$0xFFFFFFB0] =	vst v13;
	v14 =	vmul.f32 v14, v19;
	v15 =	vld [tilespmem:s11+$0xF0]  }
0x27a: {  	v13 =	vld.idx.msk [tilespmem:v12+s10+$0x0], $0xffff;
	[tilespmem:s11+$0x20] =	vst v16  }
0x27b: {  	v12 =	vmul.f32 v18, v21;
	v19 =	vld [tilespmem:s11+$0xFFFFFFC0];
	[tilespmem:s11+$0x30] =	vst v14  }
.Ltmp3:
0x27c: {  	v16 =	vmul.f32 v22, v21;
	v14 =	vld.idx.msk [tilespmem:v11+s10+$0x0], $0xffff;
	(pc) =	sbr.rel @p4 .LBB2_9-.Ltmp3, $4  }
0x27d: {  	[tilespmem:s11+$0xFFFFFF40] =	vst v12;
	v17 =	vld [tilespmem:s11+$0xFFFFFFD0]  }
0x27e: {  	[tilespmem:s11+$0xFFFFFF50] =	vst v16;
	v16 =	vld [tilespmem:s11+$0x40];
	v11 =	vmul.f32 v15, v7  }
0x27f: {  	v18 =	vld [tilespmem:s11+$0x50]  }
0x280: {  	s3 =	sadd.s32 $0x40, s3;
	v15 =	vld.idx.msk [tilespmem:v10+s10+$0x0], $0xffff;
	v10 =	vmul.f32 v19, v13;
	[tilespmem:s11+$0xF0] =	vst v11  }
0x281: {  	_ =	sdelay $0x3  }
0x282: {  	v2 =	vld.idx.msk [tilespmem:v2+s10+$0x0], $0xffff  }
0x283: {  	v11 =	vld [tilespmem:s11+$0xFFFFFF60]  }
0x284: {  	v1 =	vld.idx.msk [tilespmem:v1+s10+$0x0], $0xffff  }
0x285: {  	v58 =	vld [tilespmem:s11+$0xFFFFFF70]  }
0x286: {  	v12 =	vld [tilespmem:s11+$0xFFFFFFE0];
	v13 =	vmul.f32 v17, v13  }
0x287: {  	v19 =	vld [tilespmem:s11+$0xFFFFFFF0];
	[tilespmem:s11+$0xFFFFFFC0] =	vst v10;
	v16 =	vmul.f32 v16, v14  }
0x288: {  	v59 =	vld [tilespmem:s11+$0x60];
	v60 =	vmul.f32 v18, v14;
	[tilespmem:s12+$0xFFFFFFD0] =	vst v13  }
0x289: {  	v20 =	vld [tilespmem:s11+$0x70];
	[tilespmem:s12+$0x40] =	vst v16;
	v11 =	vmul.f32 v11, v15  }
0x28a: {  	v61 =	vld [tilespmem:s11+$0xE0];
	v10 =	vmul.f32 v58, v15;
	[tilespmem:s12+$0x50] =	vst v60  }
0x28b: {  	v9 =	vld.idx.msk [tilespmem:v9+s10+$0x0], $0xffff;
	v6 =	vmul.f32 v6, v2;
	[tilespmem:s12+$0xFFFFFF60] =	vst v11  }
0x28c: {  	v2 =	vmul.f32 v4, v2;
	[tilespmem:s12+$0xFFFFFF70] =	vst v10  }
0x28d: {  	v62 =	vmul.f32 v5, v1;
	v63 =	vld.idx.msk [tilespmem:v8+s10+$0x0], $0xffff;
	[tilespmem:s15+$0xFFFFFFE0] =	vst v6  }
0x28e: {  	v1 =	vmul.f32 v3, v1;
	[tilespmem:s15+$0xFFFFFFF0] =	vst v2  }
0x28f: {  	v2 =	vmul.f32 v61, v7;
	[tilespmem:s15+$0x60] =	vst v62  }
0x290: {  	[tilespmem:s15+$0x70] =	vst v1;
	v1 =	vmul.f32 v12, v9  }
0x291: {  	[tilespmem:s12+$0xE0] =	vst v2;
	v2 =	vmul.f32 v19, v9  }
0x292: {  	v3 =	vmul.f32 v59, v63;
	[tilespmem:s12+$0xFFFFFFE0] =	vst v1  }
0x293: {  	s4 =	sadd.s32 $0x1, s4;
	v1 =	vmul.f32 v20, v63;
	[tilespmem:s12+$0xFFFFFFF0] =	vst v2  }
0x294: {  	p4 =	sne.s32 s4, $0x7D;
	[tilespmem:s12+$0x60] =	vst v3  }
.Ltmp4:
0x295: {  	s1 =	simm.s32 $0x190;
	s11 =	simm.s32 $0x5280;
	[tilespmem:s12+$0x70] =	vst v1;
	(pc) =	sbr.rel @p4 .LBB2_2-.Ltmp4, $4  }
0x296: {  	[spmem:s29] =	stream.indirect.scatter.add.f32 [tilespmem:s11], [sflag:$0xB], $0x80, s1, s5, $0xb8;
	[tilespmem:$0x1DA10] =	vst v63  }
0x297: {  	_ =	swait.ge [sflag:s28], $0x2800  }
0x298: {  	[sflag:s28] =	ssyncset.done $0x0  }
0x299: {  	[sflag:s28] =	ssyncadd.s32 $0xFFFFD800  }
0x29a: {  	[bflag:$0x0] =	sbarrier.arrive $0xFFFF  }
0x29b: {  	s2 =	rddreg [dreg:$0xf]  }
0x29c: {  	s1 =	simm.s32 @p0 $0x1FCB;
	s3 =	rddreg [dreg:$0x19]  }
0x29d: {  	[hbm:s2], [sflag:s1] =	dma.local @p0 [spmem:s3], $0x2080  }
0x29e: {  	s2 =	simm.s32 @p0 $0xB  }
0x29f: {  	_ =	swait.ge @p0 [sflag:s2], $0x2080  }
0x2a0: {  	[sflag:s2] =	ssyncset.done @p0 $0x0;
	s3 =	rddreg [dreg:$0x1a]  }
0x2a1: {  	[sflag:s2] =	ssyncadd.s32 @p0 $0xFFFFDF80;
	s2 =	rddreg [dreg:$0x11]  }
0x2a2: {  	[hbm:s2], [sflag:s1] =	dma.local @!p2 [spmem:s3], $0x410  }
0x2a3: {  	s1 =	simm.s32 @!p2 $0xB  }
0x2a4: {  	_ =	swait.ge @!p2 [sflag:s1], $0x410  }
0x2a5: {  	s3 =	rddreg [dreg:$0x18]  }
0x2a6: {  	[sflag:s1] =	ssyncset.done @!p2 $0x0;
	s2 =	rddreg [dreg:$0x1b]  }
0x2a7: {  	[sflag:s1] =	ssyncadd.s32 @!p2 $0xFFFFFBF0;
	s1 =	rddreg [dreg:$0xb]  }
0x2a8: {  	[hbm:s1], [sflag:s3] =	dma.local @!p0 [spmem:s2], $0x2780  }
0x2a9: {  	s1 =	simm.s32 @!p0 $0xB  }
0x2aa: {  	_ =	swait.ge @!p0 [sflag:s1], $0x2780  }
0x2ab: {  	[sflag:s1] =	ssyncset.done @!p0 $0x0;
	s2 =	rddreg [dreg:$0x14]  }
0x2ac: {  	[sflag:s1] =	ssyncadd.s32 @!p0 $0xFFFFD880;
	s1 =	rddreg [dreg:$0xe]  }
0x2ad: {  	[hbm:s1], [sflag:s3] =	dma.local @!p1 [spmem:s2], $0x4F0  }
0x2ae: {  	s1 =	simm.s32 @!p1 $0xB  }
0x2af: {  	_ =	swait.ge @!p1 [sflag:s1], $0x4F0  }
0x2b0: {  	s30 =	rddreg [dreg:$0x17]  }
0x2b1: {  	s31 =	rddreg [dreg:$0x12];
	s3 =	sadd.s32 $0x1, s30  }
0x2b2: {  	p4 =	sne.s32 s3, s31  }
.Ltmp5:
0x2b3: {  	_ = 	snop;
	(pc) =	sbr.rel @p4 .LBB2_1-.Ltmp5, $3  }
0x2b4: {  	_ =	sdelay $0x1  }
0x2b5: {  	[sflag:s1] =	ssyncset.done @!p1 $0x0  }
0x2b6: {  	[sflag:s1] =	ssyncadd.s32 @!p1 $0xFFFFFB10  }
0x2b7: {  	_ =	sfence.sel $0x180000  }
0x2b8: {  	[bflag:$0x0] =	sbarrier.arrive $0xFFFF  }
0x2b9: {  	_ =	strace $0x90000047  }
0x2ba: {  	s0 =	stileid.u32;
	[bflag:$0x2] =	sbarrier.arrive $0xFFFF  }
0x2bb: {  	p0 =	sne.s32 s0, $0x0;
	s0 =	rddreg [dreg:$0x4]  }
0x2bc: {  	s0 =	sadd.s32 @!p0 $0x100000, s0  }
0x2bd: {  	[sflag:s0] =	ssyncadd.tile.s32 @!p0 $0x1;
	_ =	shalt  }
.Lfunc_end2:
_tile_overlayer_lowered:
.L_overlay_start_2:
0x2be: {  	(tag) =	ssettag $0x2  }
0x2bf: {  	s0 =	rddreg [dreg:$0x0];
	s2 =	stileid.u32  }
0x2c0: {  	s1 =	rddreg [dreg:$0x1];
	p0 =	sne.s32 s2, $0x0  }
0x2c1: {  	s3 =	rddreg [dreg:$0x2];
	[bflag:$0x3] =	sbarrier.arrive $0xFFFF;
	s2 =	simm.s32 @!p0 $0x1C0B  }
0x2c2: {  	[timem:s3], [sflag:s2] =	dma.local @!p0 [hbm:s0], s1  }
0x2c3: {  	s0 =	simm.s32 @!p0 $0xB  }
0x2c4: {  	_ =	swait.ge @!p0 [sflag:s0], s1  }
0x2c5: {  	s1 =	ssub.s32 @!p0 $0x0, s1;
	[sflag:s0] =	ssyncset.done @!p0 $0x0  }
0x2c6: {  	[sflag:s0] =	ssyncadd.s32 @!p0 s1  }
0x2c7: {  	[bflag:$0x3] =	sbarrier.arrive $0xFFFF  }
0x2c8: {  	_ =	shalt  }

</sc_bundles>
